<compile_context>
chip_gen: v7x
topology: tpu7x:2x2x1
jax: 0.10.2.dev20260603
libtpu: 0.0.44.dev20260713+nightly
codegen_flags: <defaults>
</compile_context>

<pallas_src>
import functools

import jax
import jax.numpy as jnp
from jax import lax
from jax.experimental import pallas as pl
from jax.experimental.pallas import tpu as pltpu
from jax.experimental.pallas import tpu_sc as plsc

_NC, _NS = 2, 16
_NW = _NC * _NS
_N_EDGES, _D_EDGE = 320000, 16
_ROWS_PER_W = _N_EDGES // _NW
_CHUNK = 400
_N_CHUNKS = _ROWS_PER_W // _CHUNK

_X_GRID = 5


@functools.partial(
    pl.kernel,
    mesh=plsc.VectorSubcoreMesh(core_axis_name="c", subcore_axis_name="s"),
    out_type=jax.ShapeDtypeStruct((_N_EDGES, _D_EDGE), jnp.float32),
    scratch_types=[
        pltpu.VMEM((_CHUNK, _D_EDGE), jnp.float32),
        pltpu.VMEM((_CHUNK, _D_EDGE), jnp.float32),
        pltpu.SemaphoreType.DMA,
        pltpu.SemaphoreType.DMA,
        pltpu.SemaphoreType.DMA,
        pltpu.SemaphoreType.DMA,
    ],
    compiler_params=pltpu.CompilerParams(skip_device_barrier=True),
)
def _sc_copy_edges(e_hbm, out_hbm, buf0, buf1, si0, si1, so0, so1):
    wid = lax.axis_index("s") * _NC + lax.axis_index("c")
    base = wid * _ROWS_PER_W
    bufs = (buf0, buf1)
    isems = (si0, si1)
    osems = (so0, so1)

    def chunk_slice(k):
        return pl.ds(base + k * _CHUNK, _CHUNK)

    copies_in = [
        pltpu.make_async_copy(e_hbm.at[chunk_slice(k)], bufs[k % 2], isems[k % 2])
        for k in range(_N_CHUNKS)
    ]
    copies_out = [
        pltpu.make_async_copy(bufs[k % 2], out_hbm.at[chunk_slice(k)], osems[k % 2])
        for k in range(_N_CHUNKS)
    ]
    copies_in[0].start()
    copies_in[1].start()
    for k in range(_N_CHUNKS):
        copies_in[k].wait()
        copies_out[k].start()
        if k + 2 < _N_CHUNKS:
            copies_out[k].wait()
            copies_in[k + 2].start()
    copies_out[_N_CHUNKS - 2].wait()
    copies_out[_N_CHUNKS - 1].wait()


def _x_copy_body(x_ref, xo_ref):
    xo_ref[...] = x_ref[...]


def kernel(x, edge_index, edge_attr):
    del edge_index
    n_nodes, d_feat = x.shape
    bx = n_nodes // _X_GRID
    e_out = _sc_copy_edges(edge_attr)
    x_out = pl.pallas_call(
        _x_copy_body,
        grid=(_X_GRID,),
        in_specs=[pl.BlockSpec((bx, d_feat), lambda i: (i, 0))],
        out_specs=pl.BlockSpec((bx, d_feat), lambda i: (i, 0)),
        out_shape=jax.ShapeDtypeStruct(x.shape, x.dtype),
    )(x)
    return (x_out, e_out)

# --- scband reference (transcript-rebuilt; emitter-appended) ---
"""Pipeline reference for scband-meta-layer-69166153335479 (READ-ONLY COPY).

The authoritative reference and input builder live on the scoring server;
editing this copy changes nothing except your own understanding.
"""

import jax, jax.numpy as jnp
import numpy as np


def setup_inputs(seed: int = 0) -> dict:
    key = jax.random.key(seed)
    k1, k2, k3 = jax.random.split(key, 3)
    n_nodes, d_feat = 10000, 128
    n_edges, d_edge = 320000, 16
    x = jax.random.normal(k1, (n_nodes, d_feat), dtype=jnp.float32)
    edge_index = jax.random.randint(k2, (2, n_edges), 0, n_nodes, dtype=jnp.int64)
    edge_attr = jax.random.normal(k3, (n_edges, d_edge), dtype=jnp.float32)
    return {"x": x, "edge_index": edge_index, "edge_attr": edge_attr}


def reference(x, edge_index, edge_attr):
    # MetaLayer(edge_model=None, node_model=None, global_model=None)
    # forward: row, col = edge_index; all three sub-models are None so the
    # conditional branches are skipped and inputs pass through unchanged.
    row, col = edge_index[0], edge_index[1]
    # edge_model is None -> edge_attr unchanged
    # node_model is None -> x unchanged
    # global_model is None -> global_x stays None (omitted from return)
    return (x, edge_attr)

if __name__ == "__main__":
    import jax
    _d = setup_inputs()
    print(jax.jit(kernel)(*tuple(_d.values())))

</pallas_src>

<mosaic_0001>
#map = affine_map<(d0, d1) -> (0, 0)>
module attributes {stable_mosaic.version = 14 : i64} {
  func.func @_sc_copy_edges(%arg0: i32, %arg1: i32, %arg2: memref<320000x16xf32, #tpu.memory_space<hbm>>, %arg3: memref<320000x16xf32, #tpu.memory_space<hbm>>, %arg4: memref<400x16xf32, #tpu.memory_space<vmem>>, %arg5: memref<400x16xf32, #tpu.memory_space<vmem>>, %arg6: memref<!tpu.dma_semaphore, #tpu.memory_space<semaphore_mem>>, %arg7: memref<!tpu.dma_semaphore, #tpu.memory_space<semaphore_mem>>, %arg8: memref<!tpu.dma_semaphore, #tpu.memory_space<semaphore_mem>>, %arg9: memref<!tpu.dma_semaphore, #tpu.memory_space<semaphore_mem>>) attributes {dimension_semantics = [#tpu.dimension_semantics<core_parallel>, #tpu.dimension_semantics<subcore_parallel>], iteration_bounds = array<i64: 2, 16>, scalar_prefetch = 0 : i64, scratch_operands = 6 : i64, tpu.core_type = #tpu.core_type<sc_vector_subcore>, window_params = [{transform_indices = #map}, {transform_indices = #map}]} {
    %mul3A = arith.constant 2 : i32
    %mul3A_0 = arith.muli %arg1, %mul3A : i32
    %add3A = arith.addi %mul3A_0, %arg0 : i32
    %mul3A_1 = arith.constant 10000 : i32
    %mul3A_2 = arith.muli %add3A, %mul3A_1 : i32
    %add3A_3 = arith.constant 0 : i32
    %add3A_4 = arith.addi %mul3A_2, %add3A_3 : i32
    %add3A_5 = arith.constant 400 : i32
    %add3A_6 = arith.addi %mul3A_2, %add3A_5 : i32
    %add3A_7 = arith.constant 800 : i32
    %add3A_8 = arith.addi %mul3A_2, %add3A_7 : i32
    %add3A_9 = arith.constant 1200 : i32
    %add3A_10 = arith.addi %mul3A_2, %add3A_9 : i32
    %add3A_11 = arith.constant 1600 : i32
    %add3A_12 = arith.addi %mul3A_2, %add3A_11 : i32
    %add3A_13 = arith.constant 2000 : i32
    %add3A_14 = arith.addi %mul3A_2, %add3A_13 : i32
    %add3A_15 = arith.constant 2400 : i32
    %add3A_16 = arith.addi %mul3A_2, %add3A_15 : i32
    %add3A_17 = arith.constant 2800 : i32
    %add3A_18 = arith.addi %mul3A_2, %add3A_17 : i32
    %add3A_19 = arith.constant 3200 : i32
    %add3A_20 = arith.addi %mul3A_2, %add3A_19 : i32
    %add3A_21 = arith.constant 3600 : i32
    %add3A_22 = arith.addi %mul3A_2, %add3A_21 : i32
    %add3A_23 = arith.constant 4000 : i32
    %add3A_24 = arith.addi %mul3A_2, %add3A_23 : i32
    %add3A_25 = arith.constant 4400 : i32
    %add3A_26 = arith.addi %mul3A_2, %add3A_25 : i32
    %add3A_27 = arith.constant 4800 : i32
    %add3A_28 = arith.addi %mul3A_2, %add3A_27 : i32
    %add3A_29 = arith.constant 5200 : i32
    %add3A_30 = arith.addi %mul3A_2, %add3A_29 : i32
    %add3A_31 = arith.constant 5600 : i32
    %add3A_32 = arith.addi %mul3A_2, %add3A_31 : i32
    %add3A_33 = arith.constant 6000 : i32
    %add3A_34 = arith.addi %mul3A_2, %add3A_33 : i32
    %add3A_35 = arith.constant 6400 : i32
    %add3A_36 = arith.addi %mul3A_2, %add3A_35 : i32
    %add3A_37 = arith.constant 6800 : i32
    %add3A_38 = arith.addi %mul3A_2, %add3A_37 : i32
    %add3A_39 = arith.constant 7200 : i32
    %add3A_40 = arith.addi %mul3A_2, %add3A_39 : i32
    %add3A_41 = arith.constant 7600 : i32
    %add3A_42 = arith.addi %mul3A_2, %add3A_41 : i32
    %add3A_43 = arith.constant 8000 : i32
    %add3A_44 = arith.addi %mul3A_2, %add3A_43 : i32
    %add3A_45 = arith.constant 8400 : i32
    %add3A_46 = arith.addi %mul3A_2, %add3A_45 : i32
    %add3A_47 = arith.constant 8800 : i32
    %add3A_48 = arith.addi %mul3A_2, %add3A_47 : i32
    %add3A_49 = arith.constant 9200 : i32
    %add3A_50 = arith.addi %mul3A_2, %add3A_49 : i32
    %add3A_51 = arith.constant 9600 : i32
    %add3A_52 = arith.addi %mul3A_2, %add3A_51 : i32
    %add3A_53 = arith.constant 0 : i32
    %add3A_54 = arith.addi %mul3A_2, %add3A_53 : i32
    %add3A_55 = arith.constant 400 : i32
    %add3A_56 = arith.addi %mul3A_2, %add3A_55 : i32
    %add3A_57 = arith.constant 800 : i32
    %add3A_58 = arith.addi %mul3A_2, %add3A_57 : i32
    %add3A_59 = arith.constant 1200 : i32
    %add3A_60 = arith.addi %mul3A_2, %add3A_59 : i32
    %add3A_61 = arith.constant 1600 : i32
    %add3A_62 = arith.addi %mul3A_2, %add3A_61 : i32
    %add3A_63 = arith.constant 2000 : i32
    %add3A_64 = arith.addi %mul3A_2, %add3A_63 : i32
    %add3A_65 = arith.constant 2400 : i32
    %add3A_66 = arith.addi %mul3A_2, %add3A_65 : i32
    %add3A_67 = arith.constant 2800 : i32
    %add3A_68 = arith.addi %mul3A_2, %add3A_67 : i32
    %add3A_69 = arith.constant 3200 : i32
    %add3A_70 = arith.addi %mul3A_2, %add3A_69 : i32
    %add3A_71 = arith.constant 3600 : i32
    %add3A_72 = arith.addi %mul3A_2, %add3A_71 : i32
    %add3A_73 = arith.constant 4000 : i32
    %add3A_74 = arith.addi %mul3A_2, %add3A_73 : i32
    %add3A_75 = arith.constant 4400 : i32
    %add3A_76 = arith.addi %mul3A_2, %add3A_75 : i32
    %add3A_77 = arith.constant 4800 : i32
    %add3A_78 = arith.addi %mul3A_2, %add3A_77 : i32
    %add3A_79 = arith.constant 5200 : i32
    %add3A_80 = arith.addi %mul3A_2, %add3A_79 : i32
    %add3A_81 = arith.constant 5600 : i32
    %add3A_82 = arith.addi %mul3A_2, %add3A_81 : i32
    %add3A_83 = arith.constant 6000 : i32
    %add3A_84 = arith.addi %mul3A_2, %add3A_83 : i32
    %add3A_85 = arith.constant 6400 : i32
    %add3A_86 = arith.addi %mul3A_2, %add3A_85 : i32
    %add3A_87 = arith.constant 6800 : i32
    %add3A_88 = arith.addi %mul3A_2, %add3A_87 : i32
    %add3A_89 = arith.constant 7200 : i32
    %add3A_90 = arith.addi %mul3A_2, %add3A_89 : i32
    %add3A_91 = arith.constant 7600 : i32
    %add3A_92 = arith.addi %mul3A_2, %add3A_91 : i32
    %add3A_93 = arith.constant 8000 : i32
    %add3A_94 = arith.addi %mul3A_2, %add3A_93 : i32
    %add3A_95 = arith.constant 8400 : i32
    %add3A_96 = arith.addi %mul3A_2, %add3A_95 : i32
    %add3A_97 = arith.constant 8800 : i32
    %add3A_98 = arith.addi %mul3A_2, %add3A_97 : i32
    %add3A_99 = arith.constant 9200 : i32
    %add3A_100 = arith.addi %mul3A_2, %add3A_99 : i32
    %add3A_101 = arith.constant 9600 : i32
    %add3A_102 = arith.addi %mul3A_2, %add3A_101 : i32
    %dma_start3A = arith.constant 0 : i32
    %dma_start3A_103 = tpu.memref_slice %arg2[%add3A_4, %dma_start3A] : memref<320000x16xf32, #tpu.memory_space<hbm>> -> memref<400x16xf32, #tpu.memory_space<hbm>>
    %dma_start3A_104 = arith.constant 0 : i32
    %dma_start3A_105 = tpu.memref_slice %arg2[%add3A_4, %dma_start3A_104] : memref<320000x16xf32, #tpu.memory_space<hbm>> -> memref<400x16xf32, #tpu.memory_space<hbm>>
    tpu.enqueue_dma source(%dma_start3A_105 : memref<400x16xf32, #tpu.memory_space<hbm>>) target(%arg4 : memref<400x16xf32, #tpu.memory_space<vmem>>) target_semaphore(%arg6 : memref<!tpu.dma_semaphore, #tpu.memory_space<semaphore_mem>>)
    %dma_start3A_106 = arith.constant 0 : i32
    %dma_start3A_107 = tpu.memref_slice %arg2[%add3A_6, %dma_start3A_106] : memref<320000x16xf32, #tpu.memory_space<hbm>> -> memref<400x16xf32, #tpu.memory_space<hbm>>
    %dma_start3A_108 = arith.constant 0 : i32
    %dma_start3A_109 = tpu.memref_slice %arg2[%add3A_6, %dma_start3A_108] : memref<320000x16xf32, #tpu.memory_space<hbm>> -> memref<400x16xf32, #tpu.memory_space<hbm>>
    tpu.enqueue_dma source(%dma_start3A_109 : memref<400x16xf32, #tpu.memory_space<hbm>>) target(%arg5 : memref<400x16xf32, #tpu.memory_space<vmem>>) target_semaphore(%arg7 : memref<!tpu.dma_semaphore, #tpu.memory_space<semaphore_mem>>)
    %dma_wait3A = arith.constant 0 : i32
    %dma_wait3A_110 = tpu.memref_slice %arg2[%add3A_4, %dma_wait3A] : memref<320000x16xf32, #tpu.memory_space<hbm>> -> memref<400x16xf32, #tpu.memory_space<hbm>>
    %dma_wait3A_111 = arith.constant 0 : i32
    %dma_wait3A_112 = tpu.memref_slice %arg2[%add3A_4, %dma_wait3A_111] : memref<320000x16xf32, #tpu.memory_space<hbm>> -> memref<400x16xf32, #tpu.memory_space<hbm>>
    tpu.wait_dma2 semaphore(%arg6 : memref<!tpu.dma_semaphore, #tpu.memory_space<semaphore_mem>>) src(%dma_wait3A_112 : memref<400x16xf32, #tpu.memory_space<hbm>>) dst(%arg4 : memref<400x16xf32, #tpu.memory_space<vmem>>)
    %dma_start3A_113 = arith.constant 0 : i32
    %dma_start3A_114 = tpu.memref_slice %arg3[%add3A_54, %dma_start3A_113] : memref<320000x16xf32, #tpu.memory_space<hbm>> -> memref<400x16xf32, #tpu.memory_space<hbm>>
    %dma_start3A_115 = arith.constant 0 : i32
    %dma_start3A_116 = tpu.memref_slice %arg3[%add3A_54, %dma_start3A_115] : memref<320000x16xf32, #tpu.memory_space<hbm>> -> memref<400x16xf32, #tpu.memory_space<hbm>>
    tpu.enqueue_dma source(%arg4 : memref<400x16xf32, #tpu.memory_space<vmem>>) target(%dma_start3A_116 : memref<400x16xf32, #tpu.memory_space<hbm>>) target_semaphore(%arg8 : memref<!tpu.dma_semaphore, #tpu.memory_space<semaphore_mem>>)
    %dma_wait3A_117 = arith.constant 0 : i32
    %dma_wait3A_118 = tpu.memref_slice %arg3[%add3A_54, %dma_wait3A_117] : memref<320000x16xf32, #tpu.memory_space<hbm>> -> memref<400x16xf32, #tpu.memory_space<hbm>>
    %dma_wait3A_119 = arith.constant 0 : i32
    %dma_wait3A_120 = tpu.memref_slice %arg3[%add3A_54, %dma_wait3A_119] : memref<320000x16xf32, #tpu.memory_space<hbm>> -> memref<400x16xf32, #tpu.memory_space<hbm>>
    tpu.wait_dma2 semaphore(%arg8 : memref<!tpu.dma_semaphore, #tpu.memory_space<semaphore_mem>>) src(%arg4 : memref<400x16xf32, #tpu.memory_space<vmem>>) dst(%dma_wait3A_120 : memref<400x16xf32, #tpu.memory_space<hbm>>)
    %dma_start3A_121 = arith.constant 0 : i32
    %dma_start3A_122 = tpu.memref_slice %arg2[%add3A_8, %dma_start3A_121] : memref<320000x16xf32, #tpu.memory_space<hbm>> -> memref<400x16xf32, #tpu.memory_space<hbm>>
    %dma_start3A_123 = arith.constant 0 : i32
    %dma_start3A_124 = tpu.memref_slice %arg2[%add3A_8, %dma_start3A_123] : memref<320000x16xf32, #tpu.memory_space<hbm>> -> memref<400x16xf32, #tpu.memory_space<hbm>>
    tpu.enqueue_dma source(%dma_start3A_124 : memref<400x16xf32, #tpu.memory_space<hbm>>) target(%arg4 : memref<400x16xf32, #tpu.memory_space<vmem>>) target_semaphore(%arg6 : memref<!tpu.dma_semaphore, #tpu.memory_space<semaphore_mem>>)
    %dma_wait3A_125 = arith.constant 0 : i32
    %dma_wait3A_126 = tpu.memref_slice %arg2[%add3A_6, %dma_wait3A_125] : memref<320000x16xf32, #tpu.memory_space<hbm>> -> memref<400x16xf32, #tpu.memory_space<hbm>>
    %dma_wait3A_127 = arith.constant 0 : i32
    %dma_wait3A_128 = tpu.memref_slice %arg2[%add3A_6, %dma_wait3A_127] : memref<320000x16xf32, #tpu.memory_space<hbm>> -> memref<400x16xf32, #tpu.memory_space<hbm>>
    tpu.wait_dma2 semaphore(%arg7 : memref<!tpu.dma_semaphore, #tpu.memory_space<semaphore_mem>>) src(%dma_wait3A_128 : memref<400x16xf32, #tpu.memory_space<hbm>>) dst(%arg5 : memref<400x16xf32, #tpu.memory_space<vmem>>)
    %dma_start3A_129 = arith.constant 0 : i32
    %dma_start3A_130 = tpu.memref_slice %arg3[%add3A_56, %dma_start3A_129] : memref<320000x16xf32, #tpu.memory_space<hbm>> -> memref<400x16xf32, #tpu.memory_space<hbm>>
    %dma_start3A_131 = arith.constant 0 : i32
    %dma_start3A_132 = tpu.memref_slice %arg3[%add3A_56, %dma_start3A_131] : memref<320000x16xf32, #tpu.memory_space<hbm>> -> memref<400x16xf32, #tpu.memory_space<hbm>>
    tpu.enqueue_dma source(%arg5 : memref<400x16xf32, #tpu.memory_space<vmem>>) target(%dma_start3A_132 : memref<400x16xf32, #tpu.memory_space<hbm>>) target_semaphore(%arg9 : memref<!tpu.dma_semaphore, #tpu.memory_space<semaphore_mem>>)
    %dma_wait3A_133 = arith.constant 0 : i32
    %dma_wait3A_134 = tpu.memref_slice %arg3[%add3A_56, %dma_wait3A_133] : memref<320000x16xf32, #tpu.memory_space<hbm>> -> memref<400x16xf32, #tpu.memory_space<hbm>>
    %dma_wait3A_135 = arith.constant 0 : i32
    %dma_wait3A_136 = tpu.memref_slice %arg3[%add3A_56, %dma_wait3A_135] : memref<320000x16xf32, #tpu.memory_space<hbm>> -> memref<400x16xf32, #tpu.memory_space<hbm>>
    tpu.wait_dma2 semaphore(%arg9 : memref<!tpu.dma_semaphore, #tpu.memory_space<semaphore_mem>>) src(%arg5 : memref<400x16xf32, #tpu.memory_space<vmem>>) dst(%dma_wait3A_136 : memref<400x16xf32, #tpu.memory_space<hbm>>)
    %dma_start3A_137 = arith.constant 0 : i32
    %dma_start3A_138 = tpu.memref_slice %arg2[%add3A_10, %dma_start3A_137] : memref<320000x16xf32, #tpu.memory_space<hbm>> -> memref<400x16xf32, #tpu.memory_space<hbm>>
    %dma_start3A_139 = arith.constant 0 : i32
    %dma_start3A_140 = tpu.memref_slice %arg2[%add3A_10, %dma_start3A_139] : memref<320000x16xf32, #tpu.memory_space<hbm>> -> memref<400x16xf32, #tpu.memory_space<hbm>>
    tpu.enqueue_dma source(%dma_start3A_140 : memref<400x16xf32, #tpu.memory_space<hbm>>) target(%arg5 : memref<400x16xf32, #tpu.memory_space<vmem>>) target_semaphore(%arg7 : memref<!tpu.dma_semaphore, #tpu.memory_space<semaphore_mem>>)
    %dma_wait3A_141 = arith.constant 0 : i32
    %dma_wait3A_142 = tpu.memref_slice %arg2[%add3A_8, %dma_wait3A_141] : memref<320000x16xf32, #tpu.memory_space<hbm>> -> memref<400x16xf32, #tpu.memory_space<hbm>>
    %dma_wait3A_143 = arith.constant 0 : i32
    %dma_wait3A_144 = tpu.memref_slice %arg2[%add3A_8, %dma_wait3A_143] : memref<320000x16xf32, #tpu.memory_space<hbm>> -> memref<400x16xf32, #tpu.memory_space<hbm>>
    tpu.wait_dma2 semaphore(%arg6 : memref<!tpu.dma_semaphore, #tpu.memory_space<semaphore_mem>>) src(%dma_wait3A_144 : memref<400x16xf32, #tpu.memory_space<hbm>>) dst(%arg4 : memref<400x16xf32, #tpu.memory_space<vmem>>)
    %dma_start3A_145 = arith.constant 0 : i32
    %dma_start3A_146 = tpu.memref_slice %arg3[%add3A_58, %dma_start3A_145] : memref<320000x16xf32, #tpu.memory_space<hbm>> -> memref<400x16xf32, #tpu.memory_space<hbm>>
    %dma_start3A_147 = arith.constant 0 : i32
    %dma_start3A_148 = tpu.memref_slice %arg3[%add3A_58, %dma_start3A_147] : memref<320000x16xf32, #tpu.memory_space<hbm>> -> memref<400x16xf32, #tpu.memory_space<hbm>>
    tpu.enqueue_dma source(%arg4 : memref<400x16xf32, #tpu.memory_space<vmem>>) target(%dma_start3A_148 : memref<400x16xf32, #tpu.memory_space<hbm>>) target_semaphore(%arg8 : memref<!tpu.dma_semaphore, #tpu.memory_space<semaphore_mem>>)
    %dma_wait3A_149 = arith.constant 0 : i32
    %dma_wait3A_150 = tpu.memref_slice %arg3[%add3A_58, %dma_wait3A_149] : memref<320000x16xf32, #tpu.memory_space<hbm>> -> memref<400x16xf32, #tpu.memory_space<hbm>>
    %dma_wait3A_151 = arith.constant 0 : i32
    %dma_wait3A_152 = tpu.memref_slice %arg3[%add3A_58, %dma_wait3A_151] : memref<320000x16xf32, #tpu.memory_space<hbm>> -> memref<400x16xf32, #tpu.memory_space<hbm>>
    tpu.wait_dma2 semaphore(%arg8 : memref<!tpu.dma_semaphore, #tpu.memory_space<semaphore_mem>>) src(%arg4 : memref<400x16xf32, #tpu.memory_space<vmem>>) dst(%dma_wait3A_152 : memref<400x16xf32, #tpu.memory_space<hbm>>)
    %dma_start3A_153 = arith.constant 0 : i32
    %dma_start3A_154 = tpu.memref_slice %arg2[%add3A_12, %dma_start3A_153] : memref<320000x16xf32, #tpu.memory_space<hbm>> -> memref<400x16xf32, #tpu.memory_space<hbm>>
    %dma_start3A_155 = arith.constant 0 : i32
    %dma_start3A_156 = tpu.memref_slice %arg2[%add3A_12, %dma_start3A_155] : memref<320000x16xf32, #tpu.memory_space<hbm>> -> memref<400x16xf32, #tpu.memory_space<hbm>>
    tpu.enqueue_dma source(%dma_start3A_156 : memref<400x16xf32, #tpu.memory_space<hbm>>) target(%arg4 : memref<400x16xf32, #tpu.memory_space<vmem>>) target_semaphore(%arg6 : memref<!tpu.dma_semaphore, #tpu.memory_space<semaphore_mem>>)
    %dma_wait3A_157 = arith.constant 0 : i32
    %dma_wait3A_158 = tpu.memref_slice %arg2[%add3A_10, %dma_wait3A_157] : memref<320000x16xf32, #tpu.memory_space<hbm>> -> memref<400x16xf32, #tpu.memory_space<hbm>>
    %dma_wait3A_159 = arith.constant 0 : i32
    %dma_wait3A_160 = tpu.memref_slice %arg2[%add3A_10, %dma_wait3A_159] : memref<320000x16xf32, #tpu.memory_space<hbm>> -> memref<400x16xf32, #tpu.memory_space<hbm>>
    tpu.wait_dma2 semaphore(%arg7 : memref<!tpu.dma_semaphore, #tpu.memory_space<semaphore_mem>>) src(%dma_wait3A_160 : memref<400x16xf32, #tpu.memory_space<hbm>>) dst(%arg5 : memref<400x16xf32, #tpu.memory_space<vmem>>)
    %dma_start3A_161 = arith.constant 0 : i32
    %dma_start3A_162 = tpu.memref_slice %arg3[%add3A_60, %dma_start3A_161] : memref<320000x16xf32, #tpu.memory_space<hbm>> -> memref<400x16xf32, #tpu.memory_space<hbm>>
    %dma_start3A_163 = arith.constant 0 : i32
    %dma_start3A_164 = tpu.memref_slice %arg3[%add3A_60, %dma_start3A_163] : memref<320000x16xf32, #tpu.memory_space<hbm>> -> memref<400x16xf32, #tpu.memory_space<hbm>>
    tpu.enqueue_dma source(%arg5 : memref<400x16xf32, #tpu.memory_space<vmem>>) target(%dma_start3A_164 : memref<400x16xf32, #tpu.memory_space<hbm>>) target_semaphore(%arg9 : memref<!tpu.dma_semaphore, #tpu.memory_space<semaphore_mem>>)
    %dma_wait3A_165 = arith.constant 0 : i32
    %dma_wait3A_166 = tpu.memref_slice %arg3[%add3A_60, %dma_wait3A_165] : memref<320000x16xf32, #tpu.memory_space<hbm>> -> memref<400x16xf32, #tpu.memory_space<hbm>>
    %dma_wait3A_167 = arith.constant 0 : i32
    %dma_wait3A_168 = tpu.memref_slice %arg3[%add3A_60, %dma_wait3A_167] : memref<320000x16xf32, #tpu.memory_space<hbm>> -> memref<400x16xf32, #tpu.memory_space<hbm>>
    tpu.wait_dma2 semaphore(%arg9 : memref<!tpu.dma_semaphore, #tpu.memory_space<semaphore_mem>>) src(%arg5 : memref<400x16xf32, #tpu.memory_space<vmem>>) dst(%dma_wait3A_168 : memref<400x16xf32, #tpu.memory_space<hbm>>)
    %dma_start3A_169 = arith.constant 0 : i32
    %dma_start3A_170 = tpu.memref_slice %arg2[%add3A_14, %dma_start3A_169] : memref<320000x16xf32, #tpu.memory_space<hbm>> -> memref<400x16xf32, #tpu.memory_space<hbm>>
    %dma_start3A_171 = arith.constant 0 : i32
    %dma_start3A_172 = tpu.memref_slice %arg2[%add3A_14, %dma_start3A_171] : memref<320000x16xf32, #tpu.memory_space<hbm>> -> memref<400x16xf32, #tpu.memory_space<hbm>>
    tpu.enqueue_dma source(%dma_start3A_172 : memref<400x16xf32, #tpu.memory_space<hbm>>) target(%arg5 : memref<400x16xf32, #tpu.memory_space<vmem>>) target_semaphore(%arg7 : memref<!tpu.dma_semaphore, #tpu.memory_space<semaphore_mem>>)
    %dma_wait3A_173 = arith.constant 0 : i32
    %dma_wait3A_174 = tpu.memref_slice %arg2[%add3A_12, %dma_wait3A_173] : memref<320000x16xf32, #tpu.memory_space<hbm>> -> memref<400x16xf32, #tpu.memory_space<hbm>>
    %dma_wait3A_175 = arith.constant 0 : i32
    %dma_wait3A_176 = tpu.memref_slice %arg2[%add3A_12, %dma_wait3A_175] : memref<320000x16xf32, #tpu.memory_space<hbm>> -> memref<400x16xf32, #tpu.memory_space<hbm>>
    tpu.wait_dma2 semaphore(%arg6 : memref<!tpu.dma_semaphore, #tpu.memory_space<semaphore_mem>>) src(%dma_wait3A_176 : memref<400x16xf32, #tpu.memory_space<hbm>>) dst(%arg4 : memref<400x16xf32, #tpu.memory_space<vmem>>)
    %dma_start3A_177 = arith.constant 0 : i32
    %dma_start3A_178 = tpu.memref_slice %arg3[%add3A_62, %dma_start3A_177] : memref<320000x16xf32, #tpu.memory_space<hbm>> -> memref<400x16xf32, #tpu.memory_space<hbm>>
    %dma_start3A_179 = arith.constant 0 : i32
    %dma_start3A_180 = tpu.memref_slice %arg3[%add3A_62, %dma_start3A_179] : memref<320000x16xf32, #tpu.memory_space<hbm>> -> memref<400x16xf32, #tpu.memory_space<hbm>>
    tpu.enqueue_dma source(%arg4 : memref<400x16xf32, #tpu.memory_space<vmem>>) target(%dma_start3A_180 : memref<400x16xf32, #tpu.memory_space<hbm>>) target_semaphore(%arg8 : memref<!tpu.dma_semaphore, #tpu.memory_space<semaphore_mem>>)
    %dma_wait3A_181 = arith.constant 0 : i32
    %dma_wait3A_182 = tpu.memref_slice %arg3[%add3A_62, %dma_wait3A_181] : memref<320000x16xf32, #tpu.memory_space<hbm>> -> memref<400x16xf32, #tpu.memory_space<hbm>>
    %dma_wait3A_183 = arith.constant 0 : i32
    %dma_wait3A_184 = tpu.memref_slice %arg3[%add3A_62, %dma_wait3A_183] : memref<320000x16xf32, #tpu.memory_space<hbm>> -> memref<400x16xf32, #tpu.memory_space<hbm>>
    tpu.wait_dma2 semaphore(%arg8 : memref<!tpu.dma_semaphore, #tpu.memory_space<semaphore_mem>>) src(%arg4 : memref<400x16xf32, #tpu.memory_space<vmem>>) dst(%dma_wait3A_184 : memref<400x16xf32, #tpu.memory_space<hbm>>)
    %dma_start3A_185 = arith.constant 0 : i32
    %dma_start3A_186 = tpu.memref_slice %arg2[%add3A_16, %dma_start3A_185] : memref<320000x16xf32, #tpu.memory_space<hbm>> -> memref<400x16xf32, #tpu.memory_space<hbm>>
    %dma_start3A_187 = arith.constant 0 : i32
    %dma_start3A_188 = tpu.memref_slice %arg2[%add3A_16, %dma_start3A_187] : memref<320000x16xf32, #tpu.memory_space<hbm>> -> memref<400x16xf32, #tpu.memory_space<hbm>>
    tpu.enqueue_dma source(%dma_start3A_188 : memref<400x16xf32, #tpu.memory_space<hbm>>) target(%arg4 : memref<400x16xf32, #tpu.memory_space<vmem>>) target_semaphore(%arg6 : memref<!tpu.dma_semaphore, #tpu.memory_space<semaphore_mem>>)
    %dma_wait3A_189 = arith.constant 0 : i32
    %dma_wait3A_190 = tpu.memref_slice %arg2[%add3A_14, %dma_wait3A_189] : memref<320000x16xf32, #tpu.memory_space<hbm>> -> memref<400x16xf32, #tpu.memory_space<hbm>>
    %dma_wait3A_191 = arith.constant 0 : i32
    %dma_wait3A_192 = tpu.memref_slice %arg2[%add3A_14, %dma_wait3A_191] : memref<320000x16xf32, #tpu.memory_space<hbm>> -> memref<400x16xf32, #tpu.memory_space<hbm>>
    tpu.wait_dma2 semaphore(%arg7 : memref<!tpu.dma_semaphore, #tpu.memory_space<semaphore_mem>>) src(%dma_wait3A_192 : memref<400x16xf32, #tpu.memory_space<hbm>>) dst(%arg5 : memref<400x16xf32, #tpu.memory_space<vmem>>)
    %dma_start3A_193 = arith.constant 0 : i32
    %dma_start3A_194 = tpu.memref_slice %arg3[%add3A_64, %dma_start3A_193] : memref<320000x16xf32, #tpu.memory_space<hbm>> -> memref<400x16xf32, #tpu.memory_space<hbm>>
    %dma_start3A_195 = arith.constant 0 : i32
    %dma_start3A_196 = tpu.memref_slice %arg3[%add3A_64, %dma_start3A_195] : memref<320000x16xf32, #tpu.memory_space<hbm>> -> memref<400x16xf32, #tpu.memory_space<hbm>>
    tpu.enqueue_dma source(%arg5 : memref<400x16xf32, #tpu.memory_space<vmem>>) target(%dma_start3A_196 : memref<400x16xf32, #tpu.memory_space<hbm>>) target_semaphore(%arg9 : memref<!tpu.dma_semaphore, #tpu.memory_space<semaphore_mem>>)
    %dma_wait3A_197 = arith.constant 0 : i32
    %dma_wait3A_198 = tpu.memref_slice %arg3[%add3A_64, %dma_wait3A_197] : memref<320000x16xf32, #tpu.memory_space<hbm>> -> memref<400x16xf32, #tpu.memory_space<hbm>>
    %dma_wait3A_199 = arith.constant 0 : i32
    %dma_wait3A_200 = tpu.memref_slice %arg3[%add3A_64, %dma_wait3A_199] : memref<320000x16xf32, #tpu.memory_space<hbm>> -> memref<400x16xf32, #tpu.memory_space<hbm>>
    tpu.wait_dma2 semaphore(%arg9 : memref<!tpu.dma_semaphore, #tpu.memory_space<semaphore_mem>>) src(%arg5 : memref<400x16xf32, #tpu.memory_space<vmem>>) dst(%dma_wait3A_200 : memref<400x16xf32, #tpu.memory_space<hbm>>)
    %dma_start3A_201 = arith.constant 0 : i32
    %dma_start3A_202 = tpu.memref_slice %arg2[%add3A_18, %dma_start3A_201] : memref<320000x16xf32, #tpu.memory_space<hbm>> -> memref<400x16xf32, #tpu.memory_space<hbm>>
    %dma_start3A_203 = arith.constant 0 : i32
    %dma_start3A_204 = tpu.memref_slice %arg2[%add3A_18, %dma_start3A_203] : memref<320000x16xf32, #tpu.memory_space<hbm>> -> memref<400x16xf32, #tpu.memory_space<hbm>>
    tpu.enqueue_dma source(%dma_start3A_204 : memref<400x16xf32, #tpu.memory_space<hbm>>) target(%arg5 : memref<400x16xf32, #tpu.memory_space<vmem>>) target_semaphore(%arg7 : memref<!tpu.dma_semaphore, #tpu.memory_space<semaphore_mem>>)
    %dma_wait3A_205 = arith.constant 0 : i32
    %dma_wait3A_206 = tpu.memref_slice %arg2[%add3A_16, %dma_wait3A_205] : memref<320000x16xf32, #tpu.memory_space<hbm>> -> memref<400x16xf32, #tpu.memory_space<hbm>>
    %dma_wait3A_207 = arith.constant 0 : i32
    %dma_wait3A_208 = tpu.memref_slice %arg2[%add3A_16, %dma_wait3A_207] : memref<320000x16xf32, #tpu.memory_space<hbm>> -> memref<400x16xf32, #tpu.memory_space<hbm>>
    tpu.wait_dma2 semaphore(%arg6 : memref<!tpu.dma_semaphore, #tpu.memory_space<semaphore_mem>>) src(%dma_wait3A_208 : memref<400x16xf32, #tpu.memory_space<hbm>>) dst(%arg4 : memref<400x16xf32, #tpu.memory_space<vmem>>)
    %dma_start3A_209 = arith.constant 0 : i32
    %dma_start3A_210 = tpu.memref_slice %arg3[%add3A_66, %dma_start3A_209] : memref<320000x16xf32, #tpu.memory_space<hbm>> -> memref<400x16xf32, #tpu.memory_space<hbm>>
    %dma_start3A_211 = arith.constant 0 : i32
    %dma_start3A_212 = tpu.memref_slice %arg3[%add3A_66, %dma_start3A_211] : memref<320000x16xf32, #tpu.memory_space<hbm>> -> memref<400x16xf32, #tpu.memory_space<hbm>>
    tpu.enqueue_dma source(%arg4 : memref<400x16xf32, #tpu.memory_space<vmem>>) target(%dma_start3A_212 : memref<400x16xf32, #tpu.memory_space<hbm>>) target_semaphore(%arg8 : memref<!tpu.dma_semaphore, #tpu.memory_space<semaphore_mem>>)
    %dma_wait3A_213 = arith.constant 0 : i32
    %dma_wait3A_214 = tpu.memref_slice %arg3[%add3A_66, %dma_wait3A_213] : memref<320000x16xf32, #tpu.memory_space<hbm>> -> memref<400x16xf32, #tpu.memory_space<hbm>>
    %dma_wait3A_215 = arith.constant 0 : i32
    %dma_wait3A_216 = tpu.memref_slice %arg3[%add3A_66, %dma_wait3A_215] : memref<320000x16xf32, #tpu.memory_space<hbm>> -> memref<400x16xf32, #tpu.memory_space<hbm>>
    tpu.wait_dma2 semaphore(%arg8 : memref<!tpu.dma_semaphore, #tpu.memory_space<semaphore_mem>>) src(%arg4 : memref<400x16xf32, #tpu.memory_space<vmem>>) dst(%dma_wait3A_216 : memref<400x16xf32, #tpu.memory_space<hbm>>)
    %dma_start3A_217 = arith.constant 0 : i32
    %dma_start3A_218 = tpu.memref_slice %arg2[%add3A_20, %dma_start3A_217] : memref<320000x16xf32, #tpu.memory_space<hbm>> -> memref<400x16xf32, #tpu.memory_space<hbm>>
    %dma_start3A_219 = arith.constant 0 : i32
    %dma_start3A_220 = tpu.memref_slice %arg2[%add3A_20, %dma_start3A_219] : memref<320000x16xf32, #tpu.memory_space<hbm>> -> memref<400x16xf32, #tpu.memory_space<hbm>>
    tpu.enqueue_dma source(%dma_start3A_220 : memref<400x16xf32, #tpu.memory_space<hbm>>) target(%arg4 : memref<400x16xf32, #tpu.memory_space<vmem>>) target_semaphore(%arg6 : memref<!tpu.dma_semaphore, #tpu.memory_space<semaphore_mem>>)
    %dma_wait3A_221 = arith.constant 0 : i32
    %dma_wait3A_222 = tpu.memref_slice %arg2[%add3A_18, %dma_wait3A_221] : memref<320000x16xf32, #tpu.memory_space<hbm>> -> memref<400x16xf32, #tpu.memory_space<hbm>>
    %dma_wait3A_223 = arith.constant 0 : i32
    %dma_wait3A_224 = tpu.memref_slice %arg2[%add3A_18, %dma_wait3A_223] : memref<320000x16xf32, #tpu.memory_space<hbm>> -> memref<400x16xf32, #tpu.memory_space<hbm>>
    tpu.wait_dma2 semaphore(%arg7 : memref<!tpu.dma_semaphore, #tpu.memory_space<semaphore_mem>>) src(%dma_wait3A_224 : memref<400x16xf32, #tpu.memory_space<hbm>>) dst(%arg5 : memref<400x16xf32, #tpu.memory_space<vmem>>)
    %dma_start3A_225 = arith.constant 0 : i32
    %dma_start3A_226 = tpu.memref_slice %arg3[%add3A_68, %dma_start3A_225] : memref<320000x16xf32, #tpu.memory_space<hbm>> -> memref<400x16xf32, #tpu.memory_space<hbm>>
    %dma_start3A_227 = arith.constant 0 : i32
    %dma_start3A_228 = tpu.memref_slice %arg3[%add3A_68, %dma_start3A_227] : memref<320000x16xf32, #tpu.memory_space<hbm>> -> memref<400x16xf32, #tpu.memory_space<hbm>>
    tpu.enqueue_dma source(%arg5 : memref<400x16xf32, #tpu.memory_space<vmem>>) target(%dma_start3A_228 : memref<400x16xf32, #tpu.memory_space<hbm>>) target_semaphore(%arg9 : memref<!tpu.dma_semaphore, #tpu.memory_space<semaphore_mem>>)
    %dma_wait3A_229 = arith.constant 0 : i32
    %dma_wait3A_230 = tpu.memref_slice %arg3[%add3A_68, %dma_wait3A_229] : memref<320000x16xf32, #tpu.memory_space<hbm>> -> memref<400x16xf32, #tpu.memory_space<hbm>>
    %dma_wait3A_231 = arith.constant 0 : i32
    %dma_wait3A_232 = tpu.memref_slice %arg3[%add3A_68, %dma_wait3A_231] : memref<320000x16xf32, #tpu.memory_space<hbm>> -> memref<400x16xf32, #tpu.memory_space<hbm>>
    tpu.wait_dma2 semaphore(%arg9 : memref<!tpu.dma_semaphore, #tpu.memory_space<semaphore_mem>>) src(%arg5 : memref<400x16xf32, #tpu.memory_space<vmem>>) dst(%dma_wait3A_232 : memref<400x16xf32, #tpu.memory_space<hbm>>)
    %dma_start3A_233 = arith.constant 0 : i32
    %dma_start3A_234 = tpu.memref_slice %arg2[%add3A_22, %dma_start3A_233] : memref<320000x16xf32, #tpu.memory_space<hbm>> -> memref<400x16xf32, #tpu.memory_space<hbm>>
    %dma_start3A_235 = arith.constant 0 : i32
    %dma_start3A_236 = tpu.memref_slice %arg2[%add3A_22, %dma_start3A_235] : memref<320000x16xf32, #tpu.memory_space<hbm>> -> memref<400x16xf32, #tpu.memory_space<hbm>>
    tpu.enqueue_dma source(%dma_start3A_236 : memref<400x16xf32, #tpu.memory_space<hbm>>) target(%arg5 : memref<400x16xf32, #tpu.memory_space<vmem>>) target_semaphore(%arg7 : memref<!tpu.dma_semaphore, #tpu.memory_space<semaphore_mem>>)
    %dma_wait3A_237 = arith.constant 0 : i32
    %dma_wait3A_238 = tpu.memref_slice %arg2[%add3A_20, %dma_wait3A_237] : memref<320000x16xf32, #tpu.memory_space<hbm>> -> memref<400x16xf32, #tpu.memory_space<hbm>>
    %dma_wait3A_239 = arith.constant 0 : i32
    %dma_wait3A_240 = tpu.memref_slice %arg2[%add3A_20, %dma_wait3A_239] : memref<320000x16xf32, #tpu.memory_space<hbm>> -> memref<400x16xf32, #tpu.memory_space<hbm>>
    tpu.wait_dma2 semaphore(%arg6 : memref<!tpu.dma_semaphore, #tpu.memory_space<semaphore_mem>>) src(%dma_wait3A_240 : memref<400x16xf32, #tpu.memory_space<hbm>>) dst(%arg4 : memref<400x16xf32, #tpu.memory_space<vmem>>)
    %dma_start3A_241 = arith.constant 0 : i32
    %dma_start3A_242 = tpu.memref_slice %arg3[%add3A_70, %dma_start3A_241] : memref<320000x16xf32, #tpu.memory_space<hbm>> -> memref<400x16xf32, #tpu.memory_space<hbm>>
    %dma_start3A_243 = arith.constant 0 : i32
    %dma_start3A_244 = tpu.memref_slice %arg3[%add3A_70, %dma_start3A_243] : memref<320000x16xf32, #tpu.memory_space<hbm>> -> memref<400x16xf32, #tpu.memory_space<hbm>>
    tpu.enqueue_dma source(%arg4 : memref<400x16xf32, #tpu.memory_space<vmem>>) target(%dma_start3A_244 : memref<400x16xf32, #tpu.memory_space<hbm>>) target_semaphore(%arg8 : memref<!tpu.dma_semaphore, #tpu.memory_space<semaphore_mem>>)
    %dma_wait3A_245 = arith.constant 0 : i32
    %dma_wait3A_246 = tpu.memref_slice %arg3[%add3A_70, %dma_wait3A_245] : memref<320000x16xf32, #tpu.memory_space<hbm>> -> memref<400x16xf32, #tpu.memory_space<hbm>>
    %dma_wait3A_247 = arith.constant 0 : i32
    %dma_wait3A_248 = tpu.memref_slice %arg3[%add3A_70, %dma_wait3A_247] : memref<320000x16xf32, #tpu.memory_space<hbm>> -> memref<400x16xf32, #tpu.memory_space<hbm>>
    tpu.wait_dma2 semaphore(%arg8 : memref<!tpu.dma_semaphore, #tpu.memory_space<semaphore_mem>>) src(%arg4 : memref<400x16xf32, #tpu.memory_space<vmem>>) dst(%dma_wait3A_248 : memref<400x16xf32, #tpu.memory_space<hbm>>)
    %dma_start3A_249 = arith.constant 0 : i32
    %dma_start3A_250 = tpu.memref_slice %arg2[%add3A_24, %dma_start3A_249] : memref<320000x16xf32, #tpu.memory_space<hbm>> -> memref<400x16xf32, #tpu.memory_space<hbm>>
    %dma_start3A_251 = arith.constant 0 : i32
    %dma_start3A_252 = tpu.memref_slice %arg2[%add3A_24, %dma_start3A_251] : memref<320000x16xf32, #tpu.memory_space<hbm>> -> memref<400x16xf32, #tpu.memory_space<hbm>>
    tpu.enqueue_dma source(%dma_start3A_252 : memref<400x16xf32, #tpu.memory_space<hbm>>) target(%arg4 : memref<400x16xf32, #tpu.memory_space<vmem>>) target_semaphore(%arg6 : memref<!tpu.dma_semaphore, #tpu.memory_space<semaphore_mem>>)
    %dma_wait3A_253 = arith.constant 0 : i32
    %dma_wait3A_254 = tpu.memref_slice %arg2[%add3A_22, %dma_wait3A_253] : memref<320000x16xf32, #tpu.memory_space<hbm>> -> memref<400x16xf32, #tpu.memory_space<hbm>>
    %dma_wait3A_255 = arith.constant 0 : i32
    %dma_wait3A_256 = tpu.memref_slice %arg2[%add3A_22, %dma_wait3A_255] : memref<320000x16xf32, #tpu.memory_space<hbm>> -> memref<400x16xf32, #tpu.memory_space<hbm>>
    tpu.wait_dma2 semaphore(%arg7 : memref<!tpu.dma_semaphore, #tpu.memory_space<semaphore_mem>>) src(%dma_wait3A_256 : memref<400x16xf32, #tpu.memory_space<hbm>>) dst(%arg5 : memref<400x16xf32, #tpu.memory_space<vmem>>)
    %dma_start3A_257 = arith.constant 0 : i32
    %dma_start3A_258 = tpu.memref_slice %arg3[%add3A_72, %dma_start3A_257] : memref<320000x16xf32, #tpu.memory_space<hbm>> -> memref<400x16xf32, #tpu.memory_space<hbm>>
    %dma_start3A_259 = arith.constant 0 : i32
    %dma_start3A_260 = tpu.memref_slice %arg3[%add3A_72, %dma_start3A_259] : memref<320000x16xf32, #tpu.memory_space<hbm>> -> memref<400x16xf32, #tpu.memory_space<hbm>>
    tpu.enqueue_dma source(%arg5 : memref<400x16xf32, #tpu.memory_space<vmem>>) target(%dma_start3A_260 : memref<400x16xf32, #tpu.memory_space<hbm>>) target_semaphore(%arg9 : memref<!tpu.dma_semaphore, #tpu.memory_space<semaphore_mem>>)
    %dma_wait3A_261 = arith.constant 0 : i32
    %dma_wait3A_262 = tpu.memref_slice %arg3[%add3A_72, %dma_wait3A_261] : memref<320000x16xf32, #tpu.memory_space<hbm>> -> memref<400x16xf32, #tpu.memory_space<hbm>>
    %dma_wait3A_263 = arith.constant 0 : i32
    %dma_wait3A_264 = tpu.memref_slice %arg3[%add3A_72, %dma_wait3A_263] : memref<320000x16xf32, #tpu.memory_space<hbm>> -> memref<400x16xf32, #tpu.memory_space<hbm>>
    tpu.wait_dma2 semaphore(%arg9 : memref<!tpu.dma_semaphore, #tpu.memory_space<semaphore_mem>>) src(%arg5 : memref<400x16xf32, #tpu.memory_space<vmem>>) dst(%dma_wait3A_264 : memref<400x16xf32, #tpu.memory_space<hbm>>)
    %dma_start3A_265 = arith.constant 0 : i32
    %dma_start3A_266 = tpu.memref_slice %arg2[%add3A_26, %dma_start3A_265] : memref<320000x16xf32, #tpu.memory_space<hbm>> -> memref<400x16xf32, #tpu.memory_space<hbm>>
    %dma_start3A_267 = arith.constant 0 : i32
    %dma_start3A_268 = tpu.memref_slice %arg2[%add3A_26, %dma_start3A_267] : memref<320000x16xf32, #tpu.memory_space<hbm>> -> memref<400x16xf32, #tpu.memory_space<hbm>>
    tpu.enqueue_dma source(%dma_start3A_268 : memref<400x16xf32, #tpu.memory_space<hbm>>) target(%arg5 : memref<400x16xf32, #tpu.memory_space<vmem>>) target_semaphore(%arg7 : memref<!tpu.dma_semaphore, #tpu.memory_space<semaphore_mem>>)
    %dma_wait3A_269 = arith.constant 0 : i32
    %dma_wait3A_270 = tpu.memref_slice %arg2[%add3A_24, %dma_wait3A_269] : memref<320000x16xf32, #tpu.memory_space<hbm>> -> memref<400x16xf32, #tpu.memory_space<hbm>>
    %dma_wait3A_271 = arith.constant 0 : i32
    %dma_wait3A_272 = tpu.memref_slice %arg2[%add3A_24, %dma_wait3A_271] : memref<320000x16xf32, #tpu.memory_space<hbm>> -> memref<400x16xf32, #tpu.memory_space<hbm>>
    tpu.wait_dma2 semaphore(%arg6 : memref<!tpu.dma_semaphore, #tpu.memory_space<semaphore_mem>>) src(%dma_wait3A_272 : memref<400x16xf32, #tpu.memory_space<hbm>>) dst(%arg4 : memref<400x16xf32, #tpu.memory_space<vmem>>)
    %dma_start3A_273 = arith.constant 0 : i32
    %dma_start3A_274 = tpu.memref_slice %arg3[%add3A_74, %dma_start3A_273] : memref<320000x16xf32, #tpu.memory_space<hbm>> -> memref<400x16xf32, #tpu.memory_space<hbm>>
    %dma_start3A_275 = arith.constant 0 : i32
    %dma_start3A_276 = tpu.memref_slice %arg3[%add3A_74, %dma_start3A_275] : memref<320000x16xf32, #tpu.memory_space<hbm>> -> memref<400x16xf32, #tpu.memory_space<hbm>>
    tpu.enqueue_dma source(%arg4 : memref<400x16xf32, #tpu.memory_space<vmem>>) target(%dma_start3A_276 : memref<400x16xf32, #tpu.memory_space<hbm>>) target_semaphore(%arg8 : memref<!tpu.dma_semaphore, #tpu.memory_space<semaphore_mem>>)
    %dma_wait3A_277 = arith.constant 0 : i32
    %dma_wait3A_278 = tpu.memref_slice %arg3[%add3A_74, %dma_wait3A_277] : memref<320000x16xf32, #tpu.memory_space<hbm>> -> memref<400x16xf32, #tpu.memory_space<hbm>>
    %dma_wait3A_279 = arith.constant 0 : i32
    %dma_wait3A_280 = tpu.memref_slice %arg3[%add3A_74, %dma_wait3A_279] : memref<320000x16xf32, #tpu.memory_space<hbm>> -> memref<400x16xf32, #tpu.memory_space<hbm>>
    tpu.wait_dma2 semaphore(%arg8 : memref<!tpu.dma_semaphore, #tpu.memory_space<semaphore_mem>>) src(%arg4 : memref<400x16xf32, #tpu.memory_space<vmem>>) dst(%dma_wait3A_280 : memref<400x16xf32, #tpu.memory_space<hbm>>)
    %dma_start3A_281 = arith.constant 0 : i32
    %dma_start3A_282 = tpu.memref_slice %arg2[%add3A_28, %dma_start3A_281] : memref<320000x16xf32, #tpu.memory_space<hbm>> -> memref<400x16xf32, #tpu.memory_space<hbm>>
    %dma_start3A_283 = arith.constant 0 : i32
    %dma_start3A_284 = tpu.memref_slice %arg2[%add3A_28, %dma_start3A_283] : memref<320000x16xf32, #tpu.memory_space<hbm>> -> memref<400x16xf32, #tpu.memory_space<hbm>>
    tpu.enqueue_dma source(%dma_start3A_284 : memref<400x16xf32, #tpu.memory_space<hbm>>) target(%arg4 : memref<400x16xf32, #tpu.memory_space<vmem>>) target_semaphore(%arg6 : memref<!tpu.dma_semaphore, #tpu.memory_space<semaphore_mem>>)
    %dma_wait3A_285 = arith.constant 0 : i32
    %dma_wait3A_286 = tpu.memref_slice %arg2[%add3A_26, %dma_wait3A_285] : memref<320000x16xf32, #tpu.memory_space<hbm>> -> memref<400x16xf32, #tpu.memory_space<hbm>>
    %dma_wait3A_287 = arith.constant 0 : i32
    %dma_wait3A_288 = tpu.memref_slice %arg2[%add3A_26, %dma_wait3A_287] : memref<320000x16xf32, #tpu.memory_space<hbm>> -> memref<400x16xf32, #tpu.memory_space<hbm>>
    tpu.wait_dma2 semaphore(%arg7 : memref<!tpu.dma_semaphore, #tpu.memory_space<semaphore_mem>>) src(%dma_wait3A_288 : memref<400x16xf32, #tpu.memory_space<hbm>>) dst(%arg5 : memref<400x16xf32, #tpu.memory_space<vmem>>)
    %dma_start3A_289 = arith.constant 0 : i32
    %dma_start3A_290 = tpu.memref_slice %arg3[%add3A_76, %dma_start3A_289] : memref<320000x16xf32, #tpu.memory_space<hbm>> -> memref<400x16xf32, #tpu.memory_space<hbm>>
    %dma_start3A_291 = arith.constant 0 : i32
    %dma_start3A_292 = tpu.memref_slice %arg3[%add3A_76, %dma_start3A_291] : memref<320000x16xf32, #tpu.memory_space<hbm>> -> memref<400x16xf32, #tpu.memory_space<hbm>>
    tpu.enqueue_dma source(%arg5 : memref<400x16xf32, #tpu.memory_space<vmem>>) target(%dma_start3A_292 : memref<400x16xf32, #tpu.memory_space<hbm>>) target_semaphore(%arg9 : memref<!tpu.dma_semaphore, #tpu.memory_space<semaphore_mem>>)
    %dma_wait3A_293 = arith.constant 0 : i32
    %dma_wait3A_294 = tpu.memref_slice %arg3[%add3A_76, %dma_wait3A_293] : memref<320000x16xf32, #tpu.memory_space<hbm>> -> memref<400x16xf32, #tpu.memory_space<hbm>>
    %dma_wait3A_295 = arith.constant 0 : i32
    %dma_wait3A_296 = tpu.memref_slice %arg3[%add3A_76, %dma_wait3A_295] : memref<320000x16xf32, #tpu.memory_space<hbm>> -> memref<400x16xf32, #tpu.memory_space<hbm>>
    tpu.wait_dma2 semaphore(%arg9 : memref<!tpu.dma_semaphore, #tpu.memory_space<semaphore_mem>>) src(%arg5 : memref<400x16xf32, #tpu.memory_space<vmem>>) dst(%dma_wait3A_296 : memref<400x16xf32, #tpu.memory_space<hbm>>)
    %dma_start3A_297 = arith.constant 0 : i32
    %dma_start3A_298 = tpu.memref_slice %arg2[%add3A_30, %dma_start3A_297] : memref<320000x16xf32, #tpu.memory_space<hbm>> -> memref<400x16xf32, #tpu.memory_space<hbm>>
    %dma_start3A_299 = arith.constant 0 : i32
    %dma_start3A_300 = tpu.memref_slice %arg2[%add3A_30, %dma_start3A_299] : memref<320000x16xf32, #tpu.memory_space<hbm>> -> memref<400x16xf32, #tpu.memory_space<hbm>>
    tpu.enqueue_dma source(%dma_start3A_300 : memref<400x16xf32, #tpu.memory_space<hbm>>) target(%arg5 : memref<400x16xf32, #tpu.memory_space<vmem>>) target_semaphore(%arg7 : memref<!tpu.dma_semaphore, #tpu.memory_space<semaphore_mem>>)
    %dma_wait3A_301 = arith.constant 0 : i32
    %dma_wait3A_302 = tpu.memref_slice %arg2[%add3A_28, %dma_wait3A_301] : memref<320000x16xf32, #tpu.memory_space<hbm>> -> memref<400x16xf32, #tpu.memory_space<hbm>>
    %dma_wait3A_303 = arith.constant 0 : i32
    %dma_wait3A_304 = tpu.memref_slice %arg2[%add3A_28, %dma_wait3A_303] : memref<320000x16xf32, #tpu.memory_space<hbm>> -> memref<400x16xf32, #tpu.memory_space<hbm>>
    tpu.wait_dma2 semaphore(%arg6 : memref<!tpu.dma_semaphore, #tpu.memory_space<semaphore_mem>>) src(%dma_wait3A_304 : memref<400x16xf32, #tpu.memory_space<hbm>>) dst(%arg4 : memref<400x16xf32, #tpu.memory_space<vmem>>)
    %dma_start3A_305 = arith.constant 0 : i32
    %dma_start3A_306 = tpu.memref_slice %arg3[%add3A_78, %dma_start3A_305] : memref<320000x16xf32, #tpu.memory_space<hbm>> -> memref<400x16xf32, #tpu.memory_space<hbm>>
    %dma_start3A_307 = arith.constant 0 : i32
    %dma_start3A_308 = tpu.memref_slice %arg3[%add3A_78, %dma_start3A_307] : memref<320000x16xf32, #tpu.memory_space<hbm>> -> memref<400x16xf32, #tpu.memory_space<hbm>>
    tpu.enqueue_dma source(%arg4 : memref<400x16xf32, #tpu.memory_space<vmem>>) target(%dma_start3A_308 : memref<400x16xf32, #tpu.memory_space<hbm>>) target_semaphore(%arg8 : memref<!tpu.dma_semaphore, #tpu.memory_space<semaphore_mem>>)
    %dma_wait3A_309 = arith.constant 0 : i32
    %dma_wait3A_310 = tpu.memref_slice %arg3[%add3A_78, %dma_wait3A_309] : memref<320000x16xf32, #tpu.memory_space<hbm>> -> memref<400x16xf32, #tpu.memory_space<hbm>>
    %dma_wait3A_311 = arith.constant 0 : i32
    %dma_wait3A_312 = tpu.memref_slice %arg3[%add3A_78, %dma_wait3A_311] : memref<320000x16xf32, #tpu.memory_space<hbm>> -> memref<400x16xf32, #tpu.memory_space<hbm>>
    tpu.wait_dma2 semaphore(%arg8 : memref<!tpu.dma_semaphore, #tpu.memory_space<semaphore_mem>>) src(%arg4 : memref<400x16xf32, #tpu.memory_space<vmem>>) dst(%dma_wait3A_312 : memref<400x16xf32, #tpu.memory_space<hbm>>)
    %dma_start3A_313 = arith.constant 0 : i32
    %dma_start3A_314 = tpu.memref_slice %arg2[%add3A_32, %dma_start3A_313] : memref<320000x16xf32, #tpu.memory_space<hbm>> -> memref<400x16xf32, #tpu.memory_space<hbm>>
    %dma_start3A_315 = arith.constant 0 : i32
    %dma_start3A_316 = tpu.memref_slice %arg2[%add3A_32, %dma_start3A_315] : memref<320000x16xf32, #tpu.memory_space<hbm>> -> memref<400x16xf32, #tpu.memory_space<hbm>>
    tpu.enqueue_dma source(%dma_start3A_316 : memref<400x16xf32, #tpu.memory_space<hbm>>) target(%arg4 : memref<400x16xf32, #tpu.memory_space<vmem>>) target_semaphore(%arg6 : memref<!tpu.dma_semaphore, #tpu.memory_space<semaphore_mem>>)
    %dma_wait3A_317 = arith.constant 0 : i32
    %dma_wait3A_318 = tpu.memref_slice %arg2[%add3A_30, %dma_wait3A_317] : memref<320000x16xf32, #tpu.memory_space<hbm>> -> memref<400x16xf32, #tpu.memory_space<hbm>>
    %dma_wait3A_319 = arith.constant 0 : i32
    %dma_wait3A_320 = tpu.memref_slice %arg2[%add3A_30, %dma_wait3A_319] : memref<320000x16xf32, #tpu.memory_space<hbm>> -> memref<400x16xf32, #tpu.memory_space<hbm>>
    tpu.wait_dma2 semaphore(%arg7 : memref<!tpu.dma_semaphore, #tpu.memory_space<semaphore_mem>>) src(%dma_wait3A_320 : memref<400x16xf32, #tpu.memory_space<hbm>>) dst(%arg5 : memref<400x16xf32, #tpu.memory_space<vmem>>)
    %dma_start3A_321 = arith.constant 0 : i32
    %dma_start3A_322 = tpu.memref_slice %arg3[%add3A_80, %dma_start3A_321] : memref<320000x16xf32, #tpu.memory_space<hbm>> -> memref<400x16xf32, #tpu.memory_space<hbm>>
    %dma_start3A_323 = arith.constant 0 : i32
    %dma_start3A_324 = tpu.memref_slice %arg3[%add3A_80, %dma_start3A_323] : memref<320000x16xf32, #tpu.memory_space<hbm>> -> memref<400x16xf32, #tpu.memory_space<hbm>>
    tpu.enqueue_dma source(%arg5 : memref<400x16xf32, #tpu.memory_space<vmem>>) target(%dma_start3A_324 : memref<400x16xf32, #tpu.memory_space<hbm>>) target_semaphore(%arg9 : memref<!tpu.dma_semaphore, #tpu.memory_space<semaphore_mem>>)
    %dma_wait3A_325 = arith.constant 0 : i32
    %dma_wait3A_326 = tpu.memref_slice %arg3[%add3A_80, %dma_wait3A_325] : memref<320000x16xf32, #tpu.memory_space<hbm>> -> memref<400x16xf32, #tpu.memory_space<hbm>>
    %dma_wait3A_327 = arith.constant 0 : i32
    %dma_wait3A_328 = tpu.memref_slice %arg3[%add3A_80, %dma_wait3A_327] : memref<320000x16xf32, #tpu.memory_space<hbm>> -> memref<400x16xf32, #tpu.memory_space<hbm>>
    tpu.wait_dma2 semaphore(%arg9 : memref<!tpu.dma_semaphore, #tpu.memory_space<semaphore_mem>>) src(%arg5 : memref<400x16xf32, #tpu.memory_space<vmem>>) dst(%dma_wait3A_328 : memref<400x16xf32, #tpu.memory_space<hbm>>)
    %dma_start3A_329 = arith.constant 0 : i32
    %dma_start3A_330 = tpu.memref_slice %arg2[%add3A_34, %dma_start3A_329] : memref<320000x16xf32, #tpu.memory_space<hbm>> -> memref<400x16xf32, #tpu.memory_space<hbm>>
    %dma_start3A_331 = arith.constant 0 : i32
    %dma_start3A_332 = tpu.memref_slice %arg2[%add3A_34, %dma_start3A_331] : memref<320000x16xf32, #tpu.memory_space<hbm>> -> memref<400x16xf32, #tpu.memory_space<hbm>>
    tpu.enqueue_dma source(%dma_start3A_332 : memref<400x16xf32, #tpu.memory_space<hbm>>) target(%arg5 : memref<400x16xf32, #tpu.memory_space<vmem>>) target_semaphore(%arg7 : memref<!tpu.dma_semaphore, #tpu.memory_space<semaphore_mem>>)
    %dma_wait3A_333 = arith.constant 0 : i32
    %dma_wait3A_334 = tpu.memref_slice %arg2[%add3A_32, %dma_wait3A_333] : memref<320000x16xf32, #tpu.memory_space<hbm>> -> memref<400x16xf32, #tpu.memory_space<hbm>>
    %dma_wait3A_335 = arith.constant 0 : i32
    %dma_wait3A_336 = tpu.memref_slice %arg2[%add3A_32, %dma_wait3A_335] : memref<320000x16xf32, #tpu.memory_space<hbm>> -> memref<400x16xf32, #tpu.memory_space<hbm>>
    tpu.wait_dma2 semaphore(%arg6 : memref<!tpu.dma_semaphore, #tpu.memory_space<semaphore_mem>>) src(%dma_wait3A_336 : memref<400x16xf32, #tpu.memory_space<hbm>>) dst(%arg4 : memref<400x16xf32, #tpu.memory_space<vmem>>)
    %dma_start3A_337 = arith.constant 0 : i32
    %dma_start3A_338 = tpu.memref_slice %arg3[%add3A_82, %dma_start3A_337] : memref<320000x16xf32, #tpu.memory_space<hbm>> -> memref<400x16xf32, #tpu.memory_space<hbm>>
    %dma_start3A_339 = arith.constant 0 : i32
    %dma_start3A_340 = tpu.memref_slice %arg3[%add3A_82, %dma_start3A_339] : memref<320000x16xf32, #tpu.memory_space<hbm>> -> memref<400x16xf32, #tpu.memory_space<hbm>>
    tpu.enqueue_dma source(%arg4 : memref<400x16xf32, #tpu.memory_space<vmem>>) target(%dma_start3A_340 : memref<400x16xf32, #tpu.memory_space<hbm>>) target_semaphore(%arg8 : memref<!tpu.dma_semaphore, #tpu.memory_space<semaphore_mem>>)
    %dma_wait3A_341 = arith.constant 0 : i32
    %dma_wait3A_342 = tpu.memref_slice %arg3[%add3A_82, %dma_wait3A_341] : memref<320000x16xf32, #tpu.memory_space<hbm>> -> memref<400x16xf32, #tpu.memory_space<hbm>>
    %dma_wait3A_343 = arith.constant 0 : i32
    %dma_wait3A_344 = tpu.memref_slice %arg3[%add3A_82, %dma_wait3A_343] : memref<320000x16xf32, #tpu.memory_space<hbm>> -> memref<400x16xf32, #tpu.memory_space<hbm>>
    tpu.wait_dma2 semaphore(%arg8 : memref<!tpu.dma_semaphore, #tpu.memory_space<semaphore_mem>>) src(%arg4 : memref<400x16xf32, #tpu.memory_space<vmem>>) dst(%dma_wait3A_344 : memref<400x16xf32, #tpu.memory_space<hbm>>)
    %dma_start3A_345 = arith.constant 0 : i32
    %dma_start3A_346 = tpu.memref_slice %arg2[%add3A_36, %dma_start3A_345] : memref<320000x16xf32, #tpu.memory_space<hbm>> -> memref<400x16xf32, #tpu.memory_space<hbm>>
    %dma_start3A_347 = arith.constant 0 : i32
    %dma_start3A_348 = tpu.memref_slice %arg2[%add3A_36, %dma_start3A_347] : memref<320000x16xf32, #tpu.memory_space<hbm>> -> memref<400x16xf32, #tpu.memory_space<hbm>>
    tpu.enqueue_dma source(%dma_start3A_348 : memref<400x16xf32, #tpu.memory_space<hbm>>) target(%arg4 : memref<400x16xf32, #tpu.memory_space<vmem>>) target_semaphore(%arg6 : memref<!tpu.dma_semaphore, #tpu.memory_space<semaphore_mem>>)
    %dma_wait3A_349 = arith.constant 0 : i32
    %dma_wait3A_350 = tpu.memref_slice %arg2[%add3A_34, %dma_wait3A_349] : memref<320000x16xf32, #tpu.memory_space<hbm>> -> memref<400x16xf32, #tpu.memory_space<hbm>>
    %dma_wait3A_351 = arith.constant 0 : i32
    %dma_wait3A_352 = tpu.memref_slice %arg2[%add3A_34, %dma_wait3A_351] : memref<320000x16xf32, #tpu.memory_space<hbm>> -> memref<400x16xf32, #tpu.memory_space<hbm>>
    tpu.wait_dma2 semaphore(%arg7 : memref<!tpu.dma_semaphore, #tpu.memory_space<semaphore_mem>>) src(%dma_wait3A_352 : memref<400x16xf32, #tpu.memory_space<hbm>>) dst(%arg5 : memref<400x16xf32, #tpu.memory_space<vmem>>)
    %dma_start3A_353 = arith.constant 0 : i32
    %dma_start3A_354 = tpu.memref_slice %arg3[%add3A_84, %dma_start3A_353] : memref<320000x16xf32, #tpu.memory_space<hbm>> -> memref<400x16xf32, #tpu.memory_space<hbm>>
    %dma_start3A_355 = arith.constant 0 : i32
    %dma_start3A_356 = tpu.memref_slice %arg3[%add3A_84, %dma_start3A_355] : memref<320000x16xf32, #tpu.memory_space<hbm>> -> memref<400x16xf32, #tpu.memory_space<hbm>>
    tpu.enqueue_dma source(%arg5 : memref<400x16xf32, #tpu.memory_space<vmem>>) target(%dma_start3A_356 : memref<400x16xf32, #tpu.memory_space<hbm>>) target_semaphore(%arg9 : memref<!tpu.dma_semaphore, #tpu.memory_space<semaphore_mem>>)
    %dma_wait3A_357 = arith.constant 0 : i32
    %dma_wait3A_358 = tpu.memref_slice %arg3[%add3A_84, %dma_wait3A_357] : memref<320000x16xf32, #tpu.memory_space<hbm>> -> memref<400x16xf32, #tpu.memory_space<hbm>>
    %dma_wait3A_359 = arith.constant 0 : i32
    %dma_wait3A_360 = tpu.memref_slice %arg3[%add3A_84, %dma_wait3A_359] : memref<320000x16xf32, #tpu.memory_space<hbm>> -> memref<400x16xf32, #tpu.memory_space<hbm>>
    tpu.wait_dma2 semaphore(%arg9 : memref<!tpu.dma_semaphore, #tpu.memory_space<semaphore_mem>>) src(%arg5 : memref<400x16xf32, #tpu.memory_space<vmem>>) dst(%dma_wait3A_360 : memref<400x16xf32, #tpu.memory_space<hbm>>)
    %dma_start3A_361 = arith.constant 0 : i32
    %dma_start3A_362 = tpu.memref_slice %arg2[%add3A_38, %dma_start3A_361] : memref<320000x16xf32, #tpu.memory_space<hbm>> -> memref<400x16xf32, #tpu.memory_space<hbm>>
    %dma_start3A_363 = arith.constant 0 : i32
    %dma_start3A_364 = tpu.memref_slice %arg2[%add3A_38, %dma_start3A_363] : memref<320000x16xf32, #tpu.memory_space<hbm>> -> memref<400x16xf32, #tpu.memory_space<hbm>>
    tpu.enqueue_dma source(%dma_start3A_364 : memref<400x16xf32, #tpu.memory_space<hbm>>) target(%arg5 : memref<400x16xf32, #tpu.memory_space<vmem>>) target_semaphore(%arg7 : memref<!tpu.dma_semaphore, #tpu.memory_space<semaphore_mem>>)
    %dma_wait3A_365 = arith.constant 0 : i32
    %dma_wait3A_366 = tpu.memref_slice %arg2[%add3A_36, %dma_wait3A_365] : memref<320000x16xf32, #tpu.memory_space<hbm>> -> memref<400x16xf32, #tpu.memory_space<hbm>>
    %dma_wait3A_367 = arith.constant 0 : i32
    %dma_wait3A_368 = tpu.memref_slice %arg2[%add3A_36, %dma_wait3A_367] : memref<320000x16xf32, #tpu.memory_space<hbm>> -> memref<400x16xf32, #tpu.memory_space<hbm>>
    tpu.wait_dma2 semaphore(%arg6 : memref<!tpu.dma_semaphore, #tpu.memory_space<semaphore_mem>>) src(%dma_wait3A_368 : memref<400x16xf32, #tpu.memory_space<hbm>>) dst(%arg4 : memref<400x16xf32, #tpu.memory_space<vmem>>)
    %dma_start3A_369 = arith.constant 0 : i32
    %dma_start3A_370 = tpu.memref_slice %arg3[%add3A_86, %dma_start3A_369] : memref<320000x16xf32, #tpu.memory_space<hbm>> -> memref<400x16xf32, #tpu.memory_space<hbm>>
    %dma_start3A_371 = arith.constant 0 : i32
    %dma_start3A_372 = tpu.memref_slice %arg3[%add3A_86, %dma_start3A_371] : memref<320000x16xf32, #tpu.memory_space<hbm>> -> memref<400x16xf32, #tpu.memory_space<hbm>>
    tpu.enqueue_dma source(%arg4 : memref<400x16xf32, #tpu.memory_space<vmem>>) target(%dma_start3A_372 : memref<400x16xf32, #tpu.memory_space<hbm>>) target_semaphore(%arg8 : memref<!tpu.dma_semaphore, #tpu.memory_space<semaphore_mem>>)
    %dma_wait3A_373 = arith.constant 0 : i32
    %dma_wait3A_374 = tpu.memref_slice %arg3[%add3A_86, %dma_wait3A_373] : memref<320000x16xf32, #tpu.memory_space<hbm>> -> memref<400x16xf32, #tpu.memory_space<hbm>>
    %dma_wait3A_375 = arith.constant 0 : i32
    %dma_wait3A_376 = tpu.memref_slice %arg3[%add3A_86, %dma_wait3A_375] : memref<320000x16xf32, #tpu.memory_space<hbm>> -> memref<400x16xf32, #tpu.memory_space<hbm>>
    tpu.wait_dma2 semaphore(%arg8 : memref<!tpu.dma_semaphore, #tpu.memory_space<semaphore_mem>>) src(%arg4 : memref<400x16xf32, #tpu.memory_space<vmem>>) dst(%dma_wait3A_376 : memref<400x16xf32, #tpu.memory_space<hbm>>)
    %dma_start3A_377 = arith.constant 0 : i32
    %dma_start3A_378 = tpu.memref_slice %arg2[%add3A_40, %dma_start3A_377] : memref<320000x16xf32, #tpu.memory_space<hbm>> -> memref<400x16xf32, #tpu.memory_space<hbm>>
    %dma_start3A_379 = arith.constant 0 : i32
    %dma_start3A_380 = tpu.memref_slice %arg2[%add3A_40, %dma_start3A_379] : memref<320000x16xf32, #tpu.memory_space<hbm>> -> memref<400x16xf32, #tpu.memory_space<hbm>>
    tpu.enqueue_dma source(%dma_start3A_380 : memref<400x16xf32, #tpu.memory_space<hbm>>) target(%arg4 : memref<400x16xf32, #tpu.memory_space<vmem>>) target_semaphore(%arg6 : memref<!tpu.dma_semaphore, #tpu.memory_space<semaphore_mem>>)
    %dma_wait3A_381 = arith.constant 0 : i32
    %dma_wait3A_382 = tpu.memref_slice %arg2[%add3A_38, %dma_wait3A_381] : memref<320000x16xf32, #tpu.memory_space<hbm>> -> memref<400x16xf32, #tpu.memory_space<hbm>>
    %dma_wait3A_383 = arith.constant 0 : i32
    %dma_wait3A_384 = tpu.memref_slice %arg2[%add3A_38, %dma_wait3A_383] : memref<320000x16xf32, #tpu.memory_space<hbm>> -> memref<400x16xf32, #tpu.memory_space<hbm>>
    tpu.wait_dma2 semaphore(%arg7 : memref<!tpu.dma_semaphore, #tpu.memory_space<semaphore_mem>>) src(%dma_wait3A_384 : memref<400x16xf32, #tpu.memory_space<hbm>>) dst(%arg5 : memref<400x16xf32, #tpu.memory_space<vmem>>)
    %dma_start3A_385 = arith.constant 0 : i32
    %dma_start3A_386 = tpu.memref_slice %arg3[%add3A_88, %dma_start3A_385] : memref<320000x16xf32, #tpu.memory_space<hbm>> -> memref<400x16xf32, #tpu.memory_space<hbm>>
    %dma_start3A_387 = arith.constant 0 : i32
    %dma_start3A_388 = tpu.memref_slice %arg3[%add3A_88, %dma_start3A_387] : memref<320000x16xf32, #tpu.memory_space<hbm>> -> memref<400x16xf32, #tpu.memory_space<hbm>>
    tpu.enqueue_dma source(%arg5 : memref<400x16xf32, #tpu.memory_space<vmem>>) target(%dma_start3A_388 : memref<400x16xf32, #tpu.memory_space<hbm>>) target_semaphore(%arg9 : memref<!tpu.dma_semaphore, #tpu.memory_space<semaphore_mem>>)
    %dma_wait3A_389 = arith.constant 0 : i32
    %dma_wait3A_390 = tpu.memref_slice %arg3[%add3A_88, %dma_wait3A_389] : memref<320000x16xf32, #tpu.memory_space<hbm>> -> memref<400x16xf32, #tpu.memory_space<hbm>>
    %dma_wait3A_391 = arith.constant 0 : i32
    %dma_wait3A_392 = tpu.memref_slice %arg3[%add3A_88, %dma_wait3A_391] : memref<320000x16xf32, #tpu.memory_space<hbm>> -> memref<400x16xf32, #tpu.memory_space<hbm>>
    tpu.wait_dma2 semaphore(%arg9 : memref<!tpu.dma_semaphore, #tpu.memory_space<semaphore_mem>>) src(%arg5 : memref<400x16xf32, #tpu.memory_space<vmem>>) dst(%dma_wait3A_392 : memref<400x16xf32, #tpu.memory_space<hbm>>)
    %dma_start3A_393 = arith.constant 0 : i32
    %dma_start3A_394 = tpu.memref_slice %arg2[%add3A_42, %dma_start3A_393] : memref<320000x16xf32, #tpu.memory_space<hbm>> -> memref<400x16xf32, #tpu.memory_space<hbm>>
    %dma_start3A_395 = arith.constant 0 : i32
    %dma_start3A_396 = tpu.memref_slice %arg2[%add3A_42, %dma_start3A_395] : memref<320000x16xf32, #tpu.memory_space<hbm>> -> memref<400x16xf32, #tpu.memory_space<hbm>>
    tpu.enqueue_dma source(%dma_start3A_396 : memref<400x16xf32, #tpu.memory_space<hbm>>) target(%arg5 : memref<400x16xf32, #tpu.memory_space<vmem>>) target_semaphore(%arg7 : memref<!tpu.dma_semaphore, #tpu.memory_space<semaphore_mem>>)
    %dma_wait3A_397 = arith.constant 0 : i32
    %dma_wait3A_398 = tpu.memref_slice %arg2[%add3A_40, %dma_wait3A_397] : memref<320000x16xf32, #tpu.memory_space<hbm>> -> memref<400x16xf32, #tpu.memory_space<hbm>>
    %dma_wait3A_399 = arith.constant 0 : i32
    %dma_wait3A_400 = tpu.memref_slice %arg2[%add3A_40, %dma_wait3A_399] : memref<320000x16xf32, #tpu.memory_space<hbm>> -> memref<400x16xf32, #tpu.memory_space<hbm>>
    tpu.wait_dma2 semaphore(%arg6 : memref<!tpu.dma_semaphore, #tpu.memory_space<semaphore_mem>>) src(%dma_wait3A_400 : memref<400x16xf32, #tpu.memory_space<hbm>>) dst(%arg4 : memref<400x16xf32, #tpu.memory_space<vmem>>)
    %dma_start3A_401 = arith.constant 0 : i32
    %dma_start3A_402 = tpu.memref_slice %arg3[%add3A_90, %dma_start3A_401] : memref<320000x16xf32, #tpu.memory_space<hbm>> -> memref<400x16xf32, #tpu.memory_space<hbm>>
    %dma_start3A_403 = arith.constant 0 : i32
    %dma_start3A_404 = tpu.memref_slice %arg3[%add3A_90, %dma_start3A_403] : memref<320000x16xf32, #tpu.memory_space<hbm>> -> memref<400x16xf32, #tpu.memory_space<hbm>>
    tpu.enqueue_dma source(%arg4 : memref<400x16xf32, #tpu.memory_space<vmem>>) target(%dma_start3A_404 : memref<400x16xf32, #tpu.memory_space<hbm>>) target_semaphore(%arg8 : memref<!tpu.dma_semaphore, #tpu.memory_space<semaphore_mem>>)
    %dma_wait3A_405 = arith.constant 0 : i32
    %dma_wait3A_406 = tpu.memref_slice %arg3[%add3A_90, %dma_wait3A_405] : memref<320000x16xf32, #tpu.memory_space<hbm>> -> memref<400x16xf32, #tpu.memory_space<hbm>>
    %dma_wait3A_407 = arith.constant 0 : i32
    %dma_wait3A_408 = tpu.memref_slice %arg3[%add3A_90, %dma_wait3A_407] : memref<320000x16xf32, #tpu.memory_space<hbm>> -> memref<400x16xf32, #tpu.memory_space<hbm>>
    tpu.wait_dma2 semaphore(%arg8 : memref<!tpu.dma_semaphore, #tpu.memory_space<semaphore_mem>>) src(%arg4 : memref<400x16xf32, #tpu.memory_space<vmem>>) dst(%dma_wait3A_408 : memref<400x16xf32, #tpu.memory_space<hbm>>)
    %dma_start3A_409 = arith.constant 0 : i32
    %dma_start3A_410 = tpu.memref_slice %arg2[%add3A_44, %dma_start3A_409] : memref<320000x16xf32, #tpu.memory_space<hbm>> -> memref<400x16xf32, #tpu.memory_space<hbm>>
    %dma_start3A_411 = arith.constant 0 : i32
    %dma_start3A_412 = tpu.memref_slice %arg2[%add3A_44, %dma_start3A_411] : memref<320000x16xf32, #tpu.memory_space<hbm>> -> memref<400x16xf32, #tpu.memory_space<hbm>>
    tpu.enqueue_dma source(%dma_start3A_412 : memref<400x16xf32, #tpu.memory_space<hbm>>) target(%arg4 : memref<400x16xf32, #tpu.memory_space<vmem>>) target_semaphore(%arg6 : memref<!tpu.dma_semaphore, #tpu.memory_space<semaphore_mem>>)
    %dma_wait3A_413 = arith.constant 0 : i32
    %dma_wait3A_414 = tpu.memref_slice %arg2[%add3A_42, %dma_wait3A_413] : memref<320000x16xf32, #tpu.memory_space<hbm>> -> memref<400x16xf32, #tpu.memory_space<hbm>>
    %dma_wait3A_415 = arith.constant 0 : i32
    %dma_wait3A_416 = tpu.memref_slice %arg2[%add3A_42, %dma_wait3A_415] : memref<320000x16xf32, #tpu.memory_space<hbm>> -> memref<400x16xf32, #tpu.memory_space<hbm>>
    tpu.wait_dma2 semaphore(%arg7 : memref<!tpu.dma_semaphore, #tpu.memory_space<semaphore_mem>>) src(%dma_wait3A_416 : memref<400x16xf32, #tpu.memory_space<hbm>>) dst(%arg5 : memref<400x16xf32, #tpu.memory_space<vmem>>)
    %dma_start3A_417 = arith.constant 0 : i32
    %dma_start3A_418 = tpu.memref_slice %arg3[%add3A_92, %dma_start3A_417] : memref<320000x16xf32, #tpu.memory_space<hbm>> -> memref<400x16xf32, #tpu.memory_space<hbm>>
    %dma_start3A_419 = arith.constant 0 : i32
    %dma_start3A_420 = tpu.memref_slice %arg3[%add3A_92, %dma_start3A_419] : memref<320000x16xf32, #tpu.memory_space<hbm>> -> memref<400x16xf32, #tpu.memory_space<hbm>>
    tpu.enqueue_dma source(%arg5 : memref<400x16xf32, #tpu.memory_space<vmem>>) target(%dma_start3A_420 : memref<400x16xf32, #tpu.memory_space<hbm>>) target_semaphore(%arg9 : memref<!tpu.dma_semaphore, #tpu.memory_space<semaphore_mem>>)
    %dma_wait3A_421 = arith.constant 0 : i32
    %dma_wait3A_422 = tpu.memref_slice %arg3[%add3A_92, %dma_wait3A_421] : memref<320000x16xf32, #tpu.memory_space<hbm>> -> memref<400x16xf32, #tpu.memory_space<hbm>>
    %dma_wait3A_423 = arith.constant 0 : i32
    %dma_wait3A_424 = tpu.memref_slice %arg3[%add3A_92, %dma_wait3A_423] : memref<320000x16xf32, #tpu.memory_space<hbm>> -> memref<400x16xf32, #tpu.memory_space<hbm>>
    tpu.wait_dma2 semaphore(%arg9 : memref<!tpu.dma_semaphore, #tpu.memory_space<semaphore_mem>>) src(%arg5 : memref<400x16xf32, #tpu.memory_space<vmem>>) dst(%dma_wait3A_424 : memref<400x16xf32, #tpu.memory_space<hbm>>)
    %dma_start3A_425 = arith.constant 0 : i32
    %dma_start3A_426 = tpu.memref_slice %arg2[%add3A_46, %dma_start3A_425] : memref<320000x16xf32, #tpu.memory_space<hbm>> -> memref<400x16xf32, #tpu.memory_space<hbm>>
    %dma_start3A_427 = arith.constant 0 : i32
    %dma_start3A_428 = tpu.memref_slice %arg2[%add3A_46, %dma_start3A_427] : memref<320000x16xf32, #tpu.memory_space<hbm>> -> memref<400x16xf32, #tpu.memory_space<hbm>>
    tpu.enqueue_dma source(%dma_start3A_428 : memref<400x16xf32, #tpu.memory_space<hbm>>) target(%arg5 : memref<400x16xf32, #tpu.memory_space<vmem>>) target_semaphore(%arg7 : memref<!tpu.dma_semaphore, #tpu.memory_space<semaphore_mem>>)
    %dma_wait3A_429 = arith.constant 0 : i32
    %dma_wait3A_430 = tpu.memref_slice %arg2[%add3A_44, %dma_wait3A_429] : memref<320000x16xf32, #tpu.memory_space<hbm>> -> memref<400x16xf32, #tpu.memory_space<hbm>>
    %dma_wait3A_431 = arith.constant 0 : i32
    %dma_wait3A_432 = tpu.memref_slice %arg2[%add3A_44, %dma_wait3A_431] : memref<320000x16xf32, #tpu.memory_space<hbm>> -> memref<400x16xf32, #tpu.memory_space<hbm>>
    tpu.wait_dma2 semaphore(%arg6 : memref<!tpu.dma_semaphore, #tpu.memory_space<semaphore_mem>>) src(%dma_wait3A_432 : memref<400x16xf32, #tpu.memory_space<hbm>>) dst(%arg4 : memref<400x16xf32, #tpu.memory_space<vmem>>)
    %dma_start3A_433 = arith.constant 0 : i32
    %dma_start3A_434 = tpu.memref_slice %arg3[%add3A_94, %dma_start3A_433] : memref<320000x16xf32, #tpu.memory_space<hbm>> -> memref<400x16xf32, #tpu.memory_space<hbm>>
    %dma_start3A_435 = arith.constant 0 : i32
    %dma_start3A_436 = tpu.memref_slice %arg3[%add3A_94, %dma_start3A_435] : memref<320000x16xf32, #tpu.memory_space<hbm>> -> memref<400x16xf32, #tpu.memory_space<hbm>>
    tpu.enqueue_dma source(%arg4 : memref<400x16xf32, #tpu.memory_space<vmem>>) target(%dma_start3A_436 : memref<400x16xf32, #tpu.memory_space<hbm>>) target_semaphore(%arg8 : memref<!tpu.dma_semaphore, #tpu.memory_space<semaphore_mem>>)
    %dma_wait3A_437 = arith.constant 0 : i32
    %dma_wait3A_438 = tpu.memref_slice %arg3[%add3A_94, %dma_wait3A_437] : memref<320000x16xf32, #tpu.memory_space<hbm>> -> memref<400x16xf32, #tpu.memory_space<hbm>>
    %dma_wait3A_439 = arith.constant 0 : i32
    %dma_wait3A_440 = tpu.memref_slice %arg3[%add3A_94, %dma_wait3A_439] : memref<320000x16xf32, #tpu.memory_space<hbm>> -> memref<400x16xf32, #tpu.memory_space<hbm>>
    tpu.wait_dma2 semaphore(%arg8 : memref<!tpu.dma_semaphore, #tpu.memory_space<semaphore_mem>>) src(%arg4 : memref<400x16xf32, #tpu.memory_space<vmem>>) dst(%dma_wait3A_440 : memref<400x16xf32, #tpu.memory_space<hbm>>)
    %dma_start3A_441 = arith.constant 0 : i32
    %dma_start3A_442 = tpu.memref_slice %arg2[%add3A_48, %dma_start3A_441] : memref<320000x16xf32, #tpu.memory_space<hbm>> -> memref<400x16xf32, #tpu.memory_space<hbm>>
    %dma_start3A_443 = arith.constant 0 : i32
    %dma_start3A_444 = tpu.memref_slice %arg2[%add3A_48, %dma_start3A_443] : memref<320000x16xf32, #tpu.memory_space<hbm>> -> memref<400x16xf32, #tpu.memory_space<hbm>>
    tpu.enqueue_dma source(%dma_start3A_444 : memref<400x16xf32, #tpu.memory_space<hbm>>) target(%arg4 : memref<400x16xf32, #tpu.memory_space<vmem>>) target_semaphore(%arg6 : memref<!tpu.dma_semaphore, #tpu.memory_space<semaphore_mem>>)
    %dma_wait3A_445 = arith.constant 0 : i32
    %dma_wait3A_446 = tpu.memref_slice %arg2[%add3A_46, %dma_wait3A_445] : memref<320000x16xf32, #tpu.memory_space<hbm>> -> memref<400x16xf32, #tpu.memory_space<hbm>>
    %dma_wait3A_447 = arith.constant 0 : i32
    %dma_wait3A_448 = tpu.memref_slice %arg2[%add3A_46, %dma_wait3A_447] : memref<320000x16xf32, #tpu.memory_space<hbm>> -> memref<400x16xf32, #tpu.memory_space<hbm>>
    tpu.wait_dma2 semaphore(%arg7 : memref<!tpu.dma_semaphore, #tpu.memory_space<semaphore_mem>>) src(%dma_wait3A_448 : memref<400x16xf32, #tpu.memory_space<hbm>>) dst(%arg5 : memref<400x16xf32, #tpu.memory_space<vmem>>)
    %dma_start3A_449 = arith.constant 0 : i32
    %dma_start3A_450 = tpu.memref_slice %arg3[%add3A_96, %dma_start3A_449] : memref<320000x16xf32, #tpu.memory_space<hbm>> -> memref<400x16xf32, #tpu.memory_space<hbm>>
    %dma_start3A_451 = arith.constant 0 : i32
    %dma_start3A_452 = tpu.memref_slice %arg3[%add3A_96, %dma_start3A_451] : memref<320000x16xf32, #tpu.memory_space<hbm>> -> memref<400x16xf32, #tpu.memory_space<hbm>>
    tpu.enqueue_dma source(%arg5 : memref<400x16xf32, #tpu.memory_space<vmem>>) target(%dma_start3A_452 : memref<400x16xf32, #tpu.memory_space<hbm>>) target_semaphore(%arg9 : memref<!tpu.dma_semaphore, #tpu.memory_space<semaphore_mem>>)
    %dma_wait3A_453 = arith.constant 0 : i32
    %dma_wait3A_454 = tpu.memref_slice %arg3[%add3A_96, %dma_wait3A_453] : memref<320000x16xf32, #tpu.memory_space<hbm>> -> memref<400x16xf32, #tpu.memory_space<hbm>>
    %dma_wait3A_455 = arith.constant 0 : i32
    %dma_wait3A_456 = tpu.memref_slice %arg3[%add3A_96, %dma_wait3A_455] : memref<320000x16xf32, #tpu.memory_space<hbm>> -> memref<400x16xf32, #tpu.memory_space<hbm>>
    tpu.wait_dma2 semaphore(%arg9 : memref<!tpu.dma_semaphore, #tpu.memory_space<semaphore_mem>>) src(%arg5 : memref<400x16xf32, #tpu.memory_space<vmem>>) dst(%dma_wait3A_456 : memref<400x16xf32, #tpu.memory_space<hbm>>)
    %dma_start3A_457 = arith.constant 0 : i32
    %dma_start3A_458 = tpu.memref_slice %arg2[%add3A_50, %dma_start3A_457] : memref<320000x16xf32, #tpu.memory_space<hbm>> -> memref<400x16xf32, #tpu.memory_space<hbm>>
    %dma_start3A_459 = arith.constant 0 : i32
    %dma_start3A_460 = tpu.memref_slice %arg2[%add3A_50, %dma_start3A_459] : memref<320000x16xf32, #tpu.memory_space<hbm>> -> memref<400x16xf32, #tpu.memory_space<hbm>>
    tpu.enqueue_dma source(%dma_start3A_460 : memref<400x16xf32, #tpu.memory_space<hbm>>) target(%arg5 : memref<400x16xf32, #tpu.memory_space<vmem>>) target_semaphore(%arg7 : memref<!tpu.dma_semaphore, #tpu.memory_space<semaphore_mem>>)
    %dma_wait3A_461 = arith.constant 0 : i32
    %dma_wait3A_462 = tpu.memref_slice %arg2[%add3A_48, %dma_wait3A_461] : memref<320000x16xf32, #tpu.memory_space<hbm>> -> memref<400x16xf32, #tpu.memory_space<hbm>>
    %dma_wait3A_463 = arith.constant 0 : i32
    %dma_wait3A_464 = tpu.memref_slice %arg2[%add3A_48, %dma_wait3A_463] : memref<320000x16xf32, #tpu.memory_space<hbm>> -> memref<400x16xf32, #tpu.memory_space<hbm>>
    tpu.wait_dma2 semaphore(%arg6 : memref<!tpu.dma_semaphore, #tpu.memory_space<semaphore_mem>>) src(%dma_wait3A_464 : memref<400x16xf32, #tpu.memory_space<hbm>>) dst(%arg4 : memref<400x16xf32, #tpu.memory_space<vmem>>)
    %dma_start3A_465 = arith.constant 0 : i32
    %dma_start3A_466 = tpu.memref_slice %arg3[%add3A_98, %dma_start3A_465] : memref<320000x16xf32, #tpu.memory_space<hbm>> -> memref<400x16xf32, #tpu.memory_space<hbm>>
    %dma_start3A_467 = arith.constant 0 : i32
    %dma_start3A_468 = tpu.memref_slice %arg3[%add3A_98, %dma_start3A_467] : memref<320000x16xf32, #tpu.memory_space<hbm>> -> memref<400x16xf32, #tpu.memory_space<hbm>>
    tpu.enqueue_dma source(%arg4 : memref<400x16xf32, #tpu.memory_space<vmem>>) target(%dma_start3A_468 : memref<400x16xf32, #tpu.memory_space<hbm>>) target_semaphore(%arg8 : memref<!tpu.dma_semaphore, #tpu.memory_space<semaphore_mem>>)
    %dma_wait3A_469 = arith.constant 0 : i32
    %dma_wait3A_470 = tpu.memref_slice %arg3[%add3A_98, %dma_wait3A_469] : memref<320000x16xf32, #tpu.memory_space<hbm>> -> memref<400x16xf32, #tpu.memory_space<hbm>>
    %dma_wait3A_471 = arith.constant 0 : i32
    %dma_wait3A_472 = tpu.memref_slice %arg3[%add3A_98, %dma_wait3A_471] : memref<320000x16xf32, #tpu.memory_space<hbm>> -> memref<400x16xf32, #tpu.memory_space<hbm>>
    tpu.wait_dma2 semaphore(%arg8 : memref<!tpu.dma_semaphore, #tpu.memory_space<semaphore_mem>>) src(%arg4 : memref<400x16xf32, #tpu.memory_space<vmem>>) dst(%dma_wait3A_472 : memref<400x16xf32, #tpu.memory_space<hbm>>)
    %dma_start3A_473 = arith.constant 0 : i32
    %dma_start3A_474 = tpu.memref_slice %arg2[%add3A_52, %dma_start3A_473] : memref<320000x16xf32, #tpu.memory_space<hbm>> -> memref<400x16xf32, #tpu.memory_space<hbm>>
    %dma_start3A_475 = arith.constant 0 : i32
    %dma_start3A_476 = tpu.memref_slice %arg2[%add3A_52, %dma_start3A_475] : memref<320000x16xf32, #tpu.memory_space<hbm>> -> memref<400x16xf32, #tpu.memory_space<hbm>>
    tpu.enqueue_dma source(%dma_start3A_476 : memref<400x16xf32, #tpu.memory_space<hbm>>) target(%arg4 : memref<400x16xf32, #tpu.memory_space<vmem>>) target_semaphore(%arg6 : memref<!tpu.dma_semaphore, #tpu.memory_space<semaphore_mem>>)
    %dma_wait3A_477 = arith.constant 0 : i32
    %dma_wait3A_478 = tpu.memref_slice %arg2[%add3A_50, %dma_wait3A_477] : memref<320000x16xf32, #tpu.memory_space<hbm>> -> memref<400x16xf32, #tpu.memory_space<hbm>>
    %dma_wait3A_479 = arith.constant 0 : i32
    %dma_wait3A_480 = tpu.memref_slice %arg2[%add3A_50, %dma_wait3A_479] : memref<320000x16xf32, #tpu.memory_space<hbm>> -> memref<400x16xf32, #tpu.memory_space<hbm>>
    tpu.wait_dma2 semaphore(%arg7 : memref<!tpu.dma_semaphore, #tpu.memory_space<semaphore_mem>>) src(%dma_wait3A_480 : memref<400x16xf32, #tpu.memory_space<hbm>>) dst(%arg5 : memref<400x16xf32, #tpu.memory_space<vmem>>)
    %dma_start3A_481 = arith.constant 0 : i32
    %dma_start3A_482 = tpu.memref_slice %arg3[%add3A_100, %dma_start3A_481] : memref<320000x16xf32, #tpu.memory_space<hbm>> -> memref<400x16xf32, #tpu.memory_space<hbm>>
    %dma_start3A_483 = arith.constant 0 : i32
    %dma_start3A_484 = tpu.memref_slice %arg3[%add3A_100, %dma_start3A_483] : memref<320000x16xf32, #tpu.memory_space<hbm>> -> memref<400x16xf32, #tpu.memory_space<hbm>>
    tpu.enqueue_dma source(%arg5 : memref<400x16xf32, #tpu.memory_space<vmem>>) target(%dma_start3A_484 : memref<400x16xf32, #tpu.memory_space<hbm>>) target_semaphore(%arg9 : memref<!tpu.dma_semaphore, #tpu.memory_space<semaphore_mem>>)
    %dma_wait3A_485 = arith.constant 0 : i32
    %dma_wait3A_486 = tpu.memref_slice %arg2[%add3A_52, %dma_wait3A_485] : memref<320000x16xf32, #tpu.memory_space<hbm>> -> memref<400x16xf32, #tpu.memory_space<hbm>>
    %dma_wait3A_487 = arith.constant 0 : i32
    %dma_wait3A_488 = tpu.memref_slice %arg2[%add3A_52, %dma_wait3A_487] : memref<320000x16xf32, #tpu.memory_space<hbm>> -> memref<400x16xf32, #tpu.memory_space<hbm>>
    tpu.wait_dma2 semaphore(%arg6 : memref<!tpu.dma_semaphore, #tpu.memory_space<semaphore_mem>>) src(%dma_wait3A_488 : memref<400x16xf32, #tpu.memory_space<hbm>>) dst(%arg4 : memref<400x16xf32, #tpu.memory_space<vmem>>)
    %dma_start3A_489 = arith.constant 0 : i32
    %dma_start3A_490 = tpu.memref_slice %arg3[%add3A_102, %dma_start3A_489] : memref<320000x16xf32, #tpu.memory_space<hbm>> -> memref<400x16xf32, #tpu.memory_space<hbm>>
    %dma_start3A_491 = arith.constant 0 : i32
    %dma_start3A_492 = tpu.memref_slice %arg3[%add3A_102, %dma_start3A_491] : memref<320000x16xf32, #tpu.memory_space<hbm>> -> memref<400x16xf32, #tpu.memory_space<hbm>>
    tpu.enqueue_dma source(%arg4 : memref<400x16xf32, #tpu.memory_space<vmem>>) target(%dma_start3A_492 : memref<400x16xf32, #tpu.memory_space<hbm>>) target_semaphore(%arg8 : memref<!tpu.dma_semaphore, #tpu.memory_space<semaphore_mem>>)
    %dma_wait3A_493 = arith.constant 0 : i32
    %dma_wait3A_494 = tpu.memref_slice %arg3[%add3A_100, %dma_wait3A_493] : memref<320000x16xf32, #tpu.memory_space<hbm>> -> memref<400x16xf32, #tpu.memory_space<hbm>>
    %dma_wait3A_495 = arith.constant 0 : i32
    %dma_wait3A_496 = tpu.memref_slice %arg3[%add3A_100, %dma_wait3A_495] : memref<320000x16xf32, #tpu.memory_space<hbm>> -> memref<400x16xf32, #tpu.memory_space<hbm>>
    tpu.wait_dma2 semaphore(%arg9 : memref<!tpu.dma_semaphore, #tpu.memory_space<semaphore_mem>>) src(%arg5 : memref<400x16xf32, #tpu.memory_space<vmem>>) dst(%dma_wait3A_496 : memref<400x16xf32, #tpu.memory_space<hbm>>)
    %dma_wait3A_497 = arith.constant 0 : i32
    %dma_wait3A_498 = tpu.memref_slice %arg3[%add3A_102, %dma_wait3A_497] : memref<320000x16xf32, #tpu.memory_space<hbm>> -> memref<400x16xf32, #tpu.memory_space<hbm>>
    %dma_wait3A_499 = arith.constant 0 : i32
    %dma_wait3A_500 = tpu.memref_slice %arg3[%add3A_102, %dma_wait3A_499] : memref<320000x16xf32, #tpu.memory_space<hbm>> -> memref<400x16xf32, #tpu.memory_space<hbm>>
    tpu.wait_dma2 semaphore(%arg8 : memref<!tpu.dma_semaphore, #tpu.memory_space<semaphore_mem>>) src(%arg4 : memref<400x16xf32, #tpu.memory_space<vmem>>) dst(%dma_wait3A_500 : memref<400x16xf32, #tpu.memory_space<hbm>>)
    return
  }
}

module attributes {stable_mosaic.version = 14 : i64} {
  func.func @_x_copy_body(%arg0: i32, %arg1: memref<2000x128xf32, #tpu.memory_space<vmem>>, %arg2: memref<2000x128xf32, #tpu.memory_space<vmem>>) attributes {dimension_semantics = [#tpu.dimension_semantics<arbitrary>], iteration_bounds = array<i64: 5>, scalar_prefetch = 0 : i64, scratch_operands = 0 : i64, tpu.core_type = #tpu.core_type<tc>, window_params = [{transform_indices = @transform_0, window_bounds = array<i64: 2000, 128>}, {transform_indices = @transform_1, window_bounds = array<i64: 2000, 128>}]} {
    %get3A = arith.constant 0 : index
    %get3A_0 = arith.constant 0 : index
    %get3A_1 = vector.load %arg1[%get3A, %get3A_0] : memref<2000x128xf32, #tpu.memory_space<vmem>>, vector<2000x128xf32>
    %swap3A = arith.constant 0 : index
    %swap3A_2 = arith.constant 0 : index
    %swap3A_3 = vector.load %arg2[%swap3A, %swap3A_2] : memref<2000x128xf32, #tpu.memory_space<vmem>>, vector<2000x128xf32>
    tpu.vector_store %arg2[%swap3A, %swap3A_2], %get3A_1 {strides = array<i32>} : memref<2000x128xf32, #tpu.memory_space<vmem>>, vector<2000x128xf32>,
    return
  }
  func.func @transform_0(%arg0: i32) -> (i32, i32) {
    %c0_i32 = arith.constant 0 : i32
    %c0_i32_0 = arith.constant 0 : i32
    return %arg0, %c0_i32 : i32, i32
  }
  func.func @transform_1(%arg0: i32) -> (i32, i32) {
    %c0_i32 = arith.constant 0 : i32
    %c0_i32_0 = arith.constant 0 : i32
    return %arg0, %c0_i32 : i32, i32
  }
}

</mosaic_0001>

<sc_bundles>
// kernel: kernel.4.cloned.1.call-start
scs
__scs_entry_jumppad:
0x0: {  	(pc) =	sbr.rel $0x88, $3  }
0x1: {  	(tag) =	ssettag $0x0;
	lr =	simm.s32 $0x1  }
0x2: {  	[smem:$0x3F9F] =	sst lr;
	_ =	strace $0xD0000000  }
0x3: {  	_ = 	snop  }
0x4: {  	_ = 	snop  }
0x5: {  	_ = 	snop  }
0x6: {  	_ = 	snop  }
0x7: {  	_ = 	snop  }
__scs_overlays_trampoline_lowered:
0x8: {  	[smem:$0x3FAE] =	sst s0  }
0x9: {  	[smem:$0x3FAF] =	sst s1  }
0xa: {  	[smem:$0x3FB0] =	sst s2  }
0xb: {  	[smem:$0x3FB1] =	sst s3  }
0xc: {  	[smem:$0x3FB2] =	sst s4  }
0xd: {  	[smem:$0x3FB3] =	sst s5  }
0xe: {  	[smem:$0x3FB4] =	sst s6  }
0xf: {  	[smem:$0x3FB5] =	sst s7  }
0x10: {  	[smem:$0x3FB6] =	sst s8  }
0x11: {  	[smem:$0x3FB7] =	sst s9;
	s0 =	simm.s32 @!p0 $0x0  }
0x12: {  	s1 =	sld [smem:$0x3F9D];
	s0 =	simm.s32 @p0 $0x1  }
0x13: {  	[smem:$0x3FB8] =	sst s0;
	s0 =	simm.s32 @!p1 $0x0  }
0x14: {  	s2 =	sld [smem:$0x3F9C];
	s0 =	simm.s32 @p1 $0x1  }
0x15: {  	[smem:$0x3FB9] =	sst s0;
	s0 =	simm.s32 @!p2 $0x0  }
0x16: {  	s3 =	sld [smem:$0x3FDB];
	s0 =	simm.s32 @p2 $0x1  }
0x17: {  	s4 =	simm.s32 $0x1BF5;
	[smem:$0x3FBB] =	sst s0  }
0x18: {  	s0 =	sld [smem:$0x3F9E];
	_ =	swait.ge [sflag:s4], $0x0  }
0x19: {  	s7 =	sld [smem:$0x3F9F]  }
0x1a: {  	s8 =	sadd.s32 $0xFFFFE003, lr  }
0x1b: {  	s9 =	sadd.s32 $0xFFFFFEF7, lr;
	s5 =	simm.s32 $0xFFFFFFFF;
	p2 =	slt.u32 s8, $0xFFFFF086  }
0x1c: {  	p1 =	slt.u32 s9, $0xF7A;
	s5 =	simm.s32 @!p2 $0x0  }
0x1d: {  	s5 =	simm.s32 @p1 $0x1;
	p0 =	seq.s32 s7, s2  }
0x1e: {  	s7 =	smul.u32 @!p0 $0xF7A, s2;
	p2 =	seq.s32 @!p0 s5, $0x0  }
0x1f: {  	s9 =	smul.u32 $0xF7A, s1;
	s8 =	simm.s32 @!p0 $0x1BF5;
	p2 =	por !p2, p0  }
0x20: {  	[sflag:s8] =	ssyncset.s32 @!p0 $0xFFFFF086;
	s6 =	sadd.s32 @!p0 s3, s7;
	s7 =	simm.s32 @!p0 $0x108  }
0x21: {  	s3 =	sadd.s32 s3, s9;
	s6 =	sadd.s32 @!p0 $0x88, s6;
	s7 =	simm.s32 @p2 $0x1082  }
0x22: {  	[simem:s7], [sflag:s8] =	dma.local @!p0 [hbm:s6], $0xF7A  }
0x23: {  	s9 =	sor.u32 $0xD0000000, s2;
	s6 =	simm.s32 $0x108;
	_ =	swait.ge @!p0 [sflag:s8], $0x0  }
0x24: {  	s3 =	sadd.s32 $0x88, s3;
	s6 =	simm.s32 @!p1 $0x1082;
	[sflag:s4] =	ssyncset.s32 $0xFFFFF086  }
0x25: {  	[simem:s6], [sflag:s4] =	dma.local [hbm:s3], $0xF7A  }
0x26: {  	[smem:$0x3F9F] =	sst s1;
	(tag) =	ssettag s2;
	_ =	strace s9  }
0x27: {  	s1 =	sld [smem:$0x3FAF]  }
0x28: {  	s2 =	sld [smem:$0x3FB0]  }
0x29: {  	s4 =	sld [smem:$0x3FB2]  }
0x2a: {  	p0 =	seq.s32 s5, $0x0;
	s5 =	sld [smem:$0x3FB3]  }
0x2b: {  	s6 =	sld [smem:$0x3FB4]  }
0x2c: {  	s7 =	sld [smem:$0x3FB5]  }
0x2d: {  	s3 =	simm.s32 $0x108;
	s8 =	sld [smem:$0x3FB6]  }
0x2e: {  	s3 =	simm.s32 @!p0 $0x1082;
	s9 =	sld [smem:$0x3FB7]  }
0x2f: {  	lr =	sadd.s32 s0, s3;
	s0 =	sld [smem:$0x3FAE]  }
0x30: {  	s3 =	sld [smem:$0x3FB1]  }
0x31: {  	[smem:$0x3FBA] =	sst s10  }
0x32: {  	s10 =	sld [smem:$0x3FB8];
	_ =	sdelay $0x3  }
0x33: {  	p0 =	seq.s32 s10, $0x1;
	s10 =	sld [smem:$0x3FBA];
	_ =	sdelay $0x3  }
0x34: {  	[smem:$0x3FBA] =	sst s10  }
0x35: {  	s10 =	sld [smem:$0x3FB9];
	_ =	sdelay $0x3  }
0x36: {  	p1 =	seq.s32 s10, $0x1;
	s10 =	sld [smem:$0x3FBA];
	_ =	sdelay $0x3  }
0x37: {  	[smem:$0x3FBA] =	sst s10  }
0x38: {  	s10 =	sld [smem:$0x3FBB]  }
0x39: {  	_ = 	snop;
	(pc) =	sbr.ind lr, $3  }
0x3a: {  	_ = 	snop  }
0x3b: {  	_ = 	snop  }
0x3c: {  	p2 =	seq.s32 s10, $0x1;
	s10 =	sld [smem:$0x3FBA]  }
0x3d: {  	_ =	shalt  }
0x3e: {  	_ =	shalt  }
0x3f: {  	_ =	shalt  }
0x40: {  	_ =	shalt  }
0x41: {  	_ =	shalt  }
0x42: {  	_ =	shalt  }
0x43: {  	_ =	shalt  }
0x44: {  	_ =	shalt  }
0x45: {  	_ =	shalt  }
0x46: {  	_ =	shalt  }
0x47: {  	_ =	shalt  }
0x48: {  	_ =	shalt  }
0x49: {  	_ =	shalt  }
0x4a: {  	_ =	shalt  }
0x4b: {  	_ =	shalt  }
0x4c: {  	_ =	shalt  }
0x4d: {  	_ =	shalt  }
0x4e: {  	_ =	shalt  }
0x4f: {  	_ =	shalt  }
0x50: {  	_ =	shalt  }
0x51: {  	_ =	shalt  }
0x52: {  	_ =	shalt  }
0x53: {  	_ =	shalt  }
0x54: {  	_ =	shalt  }
0x55: {  	_ =	shalt  }
0x56: {  	_ =	shalt  }
0x57: {  	_ =	shalt  }
0x58: {  	_ =	shalt  }
0x59: {  	_ =	shalt  }
0x5a: {  	_ =	shalt  }
0x5b: {  	_ =	shalt  }
0x5c: {  	_ =	shalt  }
0x5d: {  	_ =	shalt  }
0x5e: {  	_ =	shalt  }
0x5f: {  	_ =	shalt  }
0x60: {  	_ =	shalt  }
0x61: {  	_ =	shalt  }
0x62: {  	_ =	shalt  }
0x63: {  	_ =	shalt  }
0x64: {  	_ =	shalt  }
0x65: {  	_ =	shalt  }
0x66: {  	_ =	shalt  }
0x67: {  	_ =	shalt  }
0x68: {  	_ =	shalt  }
0x69: {  	_ =	shalt  }
0x6a: {  	_ =	shalt  }
0x6b: {  	_ =	shalt  }
0x6c: {  	_ =	shalt  }
0x6d: {  	_ =	shalt  }
0x6e: {  	_ =	shalt  }
0x6f: {  	_ =	shalt  }
0x70: {  	_ =	shalt  }
0x71: {  	_ =	shalt  }
0x72: {  	_ =	shalt  }
0x73: {  	_ =	shalt  }
0x74: {  	_ =	shalt  }
0x75: {  	_ =	shalt  }
0x76: {  	_ =	shalt  }
0x77: {  	_ =	shalt  }
0x78: {  	_ =	shalt  }
0x79: {  	_ =	shalt  }
0x7a: {  	_ =	shalt  }
0x7b: {  	_ =	shalt  }
0x7c: {  	_ =	shalt  }
0x7d: {  	_ =	shalt  }
0x7e: {  	_ =	shalt  }
0x7f: {  	_ =	shalt  }
0x80: {  	_ =	shalt  }
0x81: {  	_ =	shalt  }
0x82: {  	_ =	shalt  }
0x83: {  	_ =	shalt  }
0x84: {  	_ =	shalt  }
0x85: {  	_ =	shalt  }
0x86: {  	_ =	shalt  }
0x87: {  	_ =	shalt  }
.Lfunc_end0:
.L_simem_size_0:
called_computation_lowered:
.L_overlay_start_0:
0x88: {  	s2 =	sld [smem:$0x3FD9]  }
0x89: {  	s3 =	sld [smem:$0x3FFE];
	_ =	sdelay $0x1  }
0x8a: {  	s1 =	srdreg.scid  }
0x8b: {  	s0 =	sand.u32 $0x1, s1  }
0x8c: {  	s16 =	sshll.u32 s0, $0xA;
	s2 =	sadd.s32 s3, s2  }
0x8d: {  	s2 =	sadd.s32 s2, s16  }
0x8e: {  	[smem:$0x3FC6] =	sst s2  }
0x8f: {  	_ = 	snop  }
0x90: {  	(tm) =	ssettm $0x1  }
0x91: {  	s17 =	sld [smem:$0x3FFB];
	_ =	sdelay $0x3  }
0x92: {  	_ =	strace s17  }
0x93: {  	s2 =	sld [smem:$0x3FFC];
	_ =	sdelay $0x3  }
0x94: {  	_ =	strace s2  }
0x95: {  	s2 =	sld [smem:$0x3FFD];
	_ =	sdelay $0x3  }
0x96: {  	_ =	strace s2  }
0x97: {  	_ =	strace $0x8FFFFFFF  }
0x98: {  	s18 =	sld [smem:$0x3FDB];
	_ =	sdelay $0x1  }
0x99: {  	s19 =	simm.s32 $_scs_section_size  }
0x9a: {  	s4 =	simm.s32 $_size__tile_overlayer_lowered;
	s5 =	simm.s32 $_tile_overlayer_lowered  }
0x9b: {  	s22 =	simm.s32 $0x1BFF;
	s21 =	sshll.u32 s5, $0x1;
	s2 =	sadd.s32 s19, s18  }
0x9c: {  	s6 =	simm.s32 $0x0;
	s20 =	sshll.u32 s4, $0x1;
	s4 =	sadd.s32 s21, s2  }
0x9d: {  	[timem:s6], [sflag:s22] =	dma.local [hbm:s4], s20  }
0x9e: {  	_ =	swait.ge [sflag:s22], s20  }
0x9f: {  	s3 =	ssub.s32 $0x0, s20;
	[sflag:s22] =	ssyncset.done $0x0  }
0xa0: {  	[sflag:s22] =	ssyncadd.s32 s3;
	_ =	sdelay $0x1  }
0xa1: {  	s23 =	simm.s32 $0x1B8B  }
0xa2: {  	_ =	swait.ge [sflag:s23], $0x1  }
0xa3: {  	[sflag:s23] =	ssyncset.done $0x0  }
0xa4: {  	s25 =	simm.s32 $0x1B8E;
	s24 =	sld [smem:$0x3FFE];
	[sflag:s23] =	ssyncadd.s32 $0xFFFFFFFF  }
0xa5: {  	s26 =	simm.s32 $execute0_lowered;
	[smem:$0x3FD2] =	sst s25  }
0xa6: {  	s4 =	sshll.u32 s26, $0x1;
	_ =	strace $0x80000046;
	[dreg:$0x1] =	wrdreg $0xFFFFFFFF  }
0xa7: {  	s28 =	simm.s32 $_size_execute0_lowered;
	s2 =	sadd.s32 s2, s4;
	[dreg:$0x0] =	wrdreg $0x0  }
0xa8: {  	s4 =	sshll.u32 s28, $0x1;
	[dreg:$0x2] =	wrdreg s2  }
0xa9: {  	[dreg:$0x3] =	wrdreg s4  }
0xaa: {  	[dreg:$0x4] =	wrdreg $0xC0  }
0xab: {  	_ =	task [dreg:s6], $0x5FFFF  }
0xac: {  	[dreg:$0x1] =	wrdreg $0xFFFFFFFF  }
0xad: {  	[dreg:$0x0] =	wrdreg $0x60  }
0xae: {  	[dreg:$0x2] =	wrdreg s24  }
0xaf: {  	[dreg:$0x3] =	wrdreg $0x9  }
0xb0: {  	_ =	task.clear_ibuf [dreg:s6], $0x4FFFF;
	_ =	strace $0x90000046  }
0xb1: {  	s29 =	simm.s32 $0x9;
	_ =	strace $0x80000048  }
0xb2: {  	_ =	swait.ge [sflag:s29], $0x1  }
0xb3: {  	[sflag:s29] =	ssyncadd.s32 $0xFFFFFFFF  }
0xb4: {  	_ =	strace $0x90000048  }
0xb5: {  	_ =	sfence  }
0xb6: {  	s30 =	sld [smem:$0x0];
	_ =	sdelay $0x2  }
0xb7: {  	s31 =	sshll.u32 s1, $0xD;
	s1 =	sshrl.u32 s1, $0x2  }
0xb8: {  	s3 =	sand.u32 $0x4000, s31;
	s1 =	sadd.s32 s1, s30  }
0xb9: {  	s0 =	sor.u32 s3, s0;
	s1 =	sshll.u32 s1, $0x11  }
0xba: {  	s0 =	sor.u32 s1, s0  }
0xbb: {  	s0 =	sadd.s32 $0x8F2B, s0  }
0xbc: {  	[sflag:s0] =	ssyncadd.remote.s32 $0x1  }
0xbd: {  	_ =	sfence.sel $0xFFFF  }
0xbe: {  	[dreg:$0x0] =	wrdreg $0xFFFFFFFF;
	(pc) =	sbr.abs _section_cstart, $3  }
0xbf: {  	[dreg:$0x1] =	wrdreg $0xFFFFFFFF  }
0xc0: {  	_ =	task.clear_ibuf [dreg:s6], $0x2FFFF;
	_ =	strace $0x9FFFFFFF  }
0xc1: {  	(tm) =	ssettm $0x7FFFFFFF  }
tec
execute0_lowered:
.L_overlay_start_1:
0x0: {  	(tag) =	ssettag $0x1  }
0x1: {  	s0 =	srdreg.scid;
	s1 =	stileid.u32  }
0x2: {  	s5 =	sand.u32 $0x1, s0;
	s12 =	sshll.u32 s1, $0x1  }
0x3: {  	s0 =	sor.u32 s5, s12  }
0x4: {  	s4 =	smul.u32 $0x138800, s0  }
0x5: {  	s3 =	rddreg [dreg:$0x0];
	s2 =	simm.s32 $0x0;
	s0 =	smul.u32 $0x27100, s0  }
0x6: {  	[smem:$0x7FF] =	sst s2;
	s1 =	sadd.s32 $0x600, s3  }
0x7: {  	s3 =	sadd.s32 $0x4E2600, s3;
	_ =	strace $0x80000047;
	s6 =	sadd.s32 s1, s0  }
0x8: {  	s4 =	sshrl.u32 s4, $0x3;
	s0 =	sadd.s32 s3, s0;
	[dreg:$0x2] =	wrdreg s6  }
0x9: {  	s7 =	sadd.s32 $0x1900, s4;
	[dreg:$0x4] =	wrdreg s0  }
0xa: {  	s14 =	sadd.s32 $0x3200, s4;
	s13 =	sadd.s32 s1, s7;
	s0 =	rddreg [dreg:$0x2]  }
0xb: {  	s15 =	sadd.s32 s1, s14;
	[dreg:$0x3] =	wrdreg s13  }
0xc: {  	s17 =	sadd.s32 $0x4B00, s4;
	s16 =	sadd.s32 s3, s7;
	[dreg:$0x5] =	wrdreg s15  }
0xd: {  	s18 =	sadd.s32 s1, s17;
	[dreg:$0x6] =	wrdreg s16  }
0xe: {  	s20 =	sadd.s32 $0x6400, s4;
	s19 =	sadd.s32 s3, s14;
	[dreg:$0x7] =	wrdreg s18  }
0xf: {  	s21 =	sadd.s32 s1, s20;
	[dreg:$0x8] =	wrdreg s19  }
0x10: {  	s23 =	sadd.s32 $0x7D00, s4;
	s22 =	sadd.s32 s3, s17;
	[dreg:$0x9] =	wrdreg s21  }
0x11: {  	s24 =	sadd.s32 s1, s23;
	[dreg:$0xa] =	wrdreg s22  }
0x12: {  	s26 =	sadd.s32 $0x9600, s4;
	s25 =	sadd.s32 s3, s20;
	[dreg:$0xb] =	wrdreg s24  }
0x13: {  	p0 =	por $0x0, $0x0;
	s8 =	sadd.s32 s1, s26;
	[dreg:$0xc] =	wrdreg s25  }
0x14: {  	s10 =	sadd.s32 $0xAF00, s4;
	s9 =	sadd.s32 s3, s23;
	[dreg:$0xd] =	wrdreg s8  }
0x15: {  	s5 =	ssub.s32 $0x2, s5;
	s11 =	sadd.s32 s1, s10;
	[dreg:$0xe] =	wrdreg s9  }
0x16: {  	s6 =	sadd.s32 $0x1F400, s4;
	s12 =	sadd.s32 s3, s26;
	[dreg:$0xf] =	wrdreg s11  }
0x17: {  	s13 =	sadd.s32 $0xC800, s4;
	[dreg:$0x10] =	wrdreg s12;
	s15 =	sadd.s32 s3, s10  }
0x18: {  	s16 =	sadd.s32 $0xE100, s4;
	s19 =	sadd.s32 $0xFA00, s4;
	s22 =	sadd.s32 $0x11300, s4  }
0x19: {  	s25 =	sadd.s32 $0x12C00, s4;
	s14 =	sadd.s32 s1, s13;
	[dreg:$0x12] =	wrdreg s15  }
0x1a: {  	s9 =	sadd.s32 $0x14500, s4;
	s17 =	sadd.s32 s1, s16;
	[dreg:$0x11] =	wrdreg s14  }
0x1b: {  	s8 =	sshrl.u32 s5, $0x1;
	s18 =	sadd.s32 s3, s13;
	[dreg:$0x13] =	wrdreg s17  }
0x1c: {  	s12 =	sadd.s32 $0x15E00, s4;
	s20 =	sadd.s32 s1, s19;
	[dreg:$0x14] =	wrdreg s18  }
0x1d: {  	s21 =	sadd.s32 s3, s16;
	s23 =	sadd.s32 s1, s22;
	[dreg:$0x15] =	wrdreg s20  }
0x1e: {  	s24 =	sadd.s32 s3, s19;
	s26 =	sadd.s32 s1, s25;
	[dreg:$0x16] =	wrdreg s21  }
0x1f: {  	s7 =	sadd.s32 s3, s22;
	s10 =	sadd.s32 s1, s9;
	[dreg:$0x17] =	wrdreg s23  }
0x20: {  	s8 =	ssub.s32 s5, s8;
	s11 =	sadd.s32 s3, s25;
	[dreg:$0x18] =	wrdreg s24  }
0x21: {  	s13 =	sadd.s32 $0x17700, s4;
	s31 =	sadd.s32 s1, s12;
	[dreg:$0x19] =	wrdreg s26  }
0x22: {  	s30 =	sadd.s32 s3, s9;
	s28 =	sadd.s32 s3, s12;
	[dreg:$0x1a] =	wrdreg s7  }
0x23: {  	s15 =	sadd.s32 $0x1A900, s4;
	s16 =	sadd.s32 $0x1C200, s4;
	[dreg:$0x1b] =	wrdreg s10  }
0x24: {  	s9 =	sadd.s32 $0x22600, s4;
	[dreg:$0x1c] =	wrdreg s11;
	s29 =	sadd.s32 s1, s13  }
0x25: {  	s14 =	sadd.s32 $0x19000, s4;
	s25 =	sadd.s32 s3, s13;
	s24 =	sadd.s32 s1, s15  }
0x26: {  	s17 =	sadd.s32 $0x1DB00, s4;
	s22 =	sadd.s32 s1, s16;
	s21 =	sadd.s32 s3, s15  }
0x27: {  	s19 =	sadd.s32 s3, s16;
	s7 =	sadd.s32 $0x20D00, s4;
	s18 =	sadd.s32 s1, s6  }
0x28: {  	s10 =	sadd.s32 $0x23F00, s4;
	s4 =	sadd.s32 $0x25800, s4;
	s15 =	sadd.s32 s1, s9  }
0x29: {  	s9 =	sadd.s32 s3, s9;
	s13 =	smax.u32 s8, $0x1;
	s8 =	simm.s32 $0x1  }
0x2a: {  	s26 =	sadd.s32 s1, s14;
	s23 =	sadd.s32 s3, s14;
	p1 =	sne.s32 s13, $0x1  }
.Ltmp0:
0x2b: {  	s20 =	sadd.s32 s1, s17;
	s17 =	sadd.s32 s3, s17;
	(pc) =	sbr.rel @!p1 .LBB2_3-.Ltmp0, $4  }
0x2c: {  	s16 =	sadd.s32 s1, s7;
	s14 =	sadd.s32 s3, s6;
	s11 =	sadd.s32 s3, s7  }
0x2d: {  	s12 =	sadd.s32 s1, s10;
	s6 =	sadd.s32 s1, s4;
	s5 =	sadd.s32 s3, s10  }
0x2e: {  	s3 =	sadd.s32 s3, s4;
	s1 =	sadd.s32 $0xFFFFFFFF, s13;
	s10 =	simm.s32 $0xC800  }
0x2f: {  	s4 =	simm.s32 $0x3;
	s13 =	simm.s32 $0x2;
	s7 =	simm.s32 $0x4  }
0x30: {  	[dreg:$0x1d] =	wrdreg s1  }
0x31: {  	[tilespmem:s2], [sflag:$0x1] =	stream.linear.gather [hbm4b:s0+s2], $0xC800, $0x38;
	[tilespmem:$0x19000] =	vst v63  }
0x32: {  	s1 =	rddreg [dreg:$0x3]  }
0x33: {  	[tilespmem:s10], [sflag:$0x2] =	stream.linear.gather [hbm4b:s1+s2], $0xC800, $0x38;
	[tilespmem:$0x19000] =	vst v63  }
0x34: {  	_ =	swait.ge [sflag:s8], $0xC800  }
0x35: {  	[sflag:s8] =	ssyncset.done $0x0  }
0x36: {  	s1 =	rddreg [dreg:$0x4];
	[sflag:s8] =	ssyncadd.s32 $0xFFFF3800  }
0x37: {  	[hbm4b:s1+s2] =	stream.linear.scatter [tilespmem:s2], [sflag:$0x3], $0xC800, $0x38;
	[tilespmem:$0x19000] =	vst v63  }
0x38: {  	_ =	swait.ge [sflag:s4], $0xC800  }
0x39: {  	[sflag:s4] =	ssyncset.done $0x0  }
0x3a: {  	s1 =	rddreg [dreg:$0x5];
	[sflag:s4] =	ssyncadd.s32 $0xFFFF3800  }
0x3b: {  	[tilespmem:s2], [sflag:$0x1] =	stream.linear.gather [hbm4b:s1+s2], $0xC800, $0x38;
	[tilespmem:$0x19000] =	vst v63  }
0x3c: {  	_ =	swait.ge [sflag:s13], $0xC800  }
0x3d: {  	[sflag:s13] =	ssyncset.done $0x0  }
0x3e: {  	s1 =	rddreg [dreg:$0x6];
	[sflag:s13] =	ssyncadd.s32 $0xFFFF3800  }
0x3f: {  	[hbm4b:s1+s2] =	stream.linear.scatter [tilespmem:s10], [sflag:$0x4], $0xC800, $0x38;
	[tilespmem:$0x19000] =	vst v63  }
0x40: {  	_ =	swait.ge [sflag:s7], $0xC800  }
0x41: {  	[sflag:s7] =	ssyncset.done $0x0  }
0x42: {  	s1 =	rddreg [dreg:$0x7];
	[sflag:s7] =	ssyncadd.s32 $0xFFFF3800  }
0x43: {  	[tilespmem:s10], [sflag:$0x2] =	stream.linear.gather [hbm4b:s1+s2], $0xC800, $0x38;
	[tilespmem:$0x19000] =	vst v63  }
0x44: {  	_ =	swait.ge [sflag:s8], $0xC800  }
0x45: {  	[sflag:s8] =	ssyncset.done $0x0  }
0x46: {  	s1 =	rddreg [dreg:$0x8];
	[sflag:s8] =	ssyncadd.s32 $0xFFFF3800  }
0x47: {  	[hbm4b:s1+s2] =	stream.linear.scatter [tilespmem:s2], [sflag:$0x3], $0xC800, $0x38;
	[tilespmem:$0x19000] =	vst v63  }
0x48: {  	_ =	swait.ge [sflag:s4], $0xC800  }
0x49: {  	[sflag:s4] =	ssyncset.done $0x0  }
0x4a: {  	s1 =	rddreg [dreg:$0x9];
	[sflag:s4] =	ssyncadd.s32 $0xFFFF3800  }
0x4b: {  	[tilespmem:s2], [sflag:$0x1] =	stream.linear.gather [hbm4b:s1+s2], $0xC800, $0x38;
	[tilespmem:$0x19000] =	vst v63  }
0x4c: {  	_ =	swait.ge [sflag:s13], $0xC800  }
0x4d: {  	[sflag:s13] =	ssyncset.done $0x0  }
0x4e: {  	s1 =	rddreg [dreg:$0xa];
	[sflag:s13] =	ssyncadd.s32 $0xFFFF3800  }
0x4f: {  	[hbm4b:s1+s2] =	stream.linear.scatter [tilespmem:s10], [sflag:$0x4], $0xC800, $0x38;
	[tilespmem:$0x19000] =	vst v63  }
0x50: {  	_ =	swait.ge [sflag:s7], $0xC800  }
0x51: {  	[sflag:s7] =	ssyncset.done $0x0  }
0x52: {  	s1 =	rddreg [dreg:$0xb];
	[sflag:s7] =	ssyncadd.s32 $0xFFFF3800  }
0x53: {  	[tilespmem:s10], [sflag:$0x2] =	stream.linear.gather [hbm4b:s1+s2], $0xC800, $0x38;
	[tilespmem:$0x19000] =	vst v63  }
0x54: {  	_ =	swait.ge [sflag:s8], $0xC800  }
0x55: {  	[sflag:s8] =	ssyncset.done $0x0  }
0x56: {  	s1 =	rddreg [dreg:$0xc];
	[sflag:s8] =	ssyncadd.s32 $0xFFFF3800  }
0x57: {  	[hbm4b:s1+s2] =	stream.linear.scatter [tilespmem:s2], [sflag:$0x3], $0xC800, $0x38;
	[tilespmem:$0x19000] =	vst v63  }
0x58: {  	_ =	swait.ge [sflag:s4], $0xC800  }
0x59: {  	[sflag:s4] =	ssyncset.done $0x0  }
0x5a: {  	s1 =	rddreg [dreg:$0xd];
	[sflag:s4] =	ssyncadd.s32 $0xFFFF3800  }
0x5b: {  	[tilespmem:s2], [sflag:$0x1] =	stream.linear.gather [hbm4b:s1+s2], $0xC800, $0x38;
	[tilespmem:$0x19000] =	vst v63  }
0x5c: {  	_ =	swait.ge [sflag:s13], $0xC800  }
0x5d: {  	[sflag:s13] =	ssyncset.done $0x0  }
0x5e: {  	s1 =	rddreg [dreg:$0xe];
	[sflag:s13] =	ssyncadd.s32 $0xFFFF3800  }
0x5f: {  	[hbm4b:s1+s2] =	stream.linear.scatter [tilespmem:s10], [sflag:$0x4], $0xC800, $0x38;
	[tilespmem:$0x19000] =	vst v63  }
0x60: {  	_ =	swait.ge [sflag:s7], $0xC800  }
0x61: {  	[sflag:s7] =	ssyncset.done $0x0  }
0x62: {  	s1 =	rddreg [dreg:$0xf];
	[sflag:s7] =	ssyncadd.s32 $0xFFFF3800  }
0x63: {  	[tilespmem:s10], [sflag:$0x2] =	stream.linear.gather [hbm4b:s1+s2], $0xC800, $0x38;
	[tilespmem:$0x19000] =	vst v63  }
0x64: {  	_ =	swait.ge [sflag:s8], $0xC800  }
0x65: {  	[sflag:s8] =	ssyncset.done $0x0  }
0x66: {  	s1 =	rddreg [dreg:$0x10];
	[sflag:s8] =	ssyncadd.s32 $0xFFFF3800  }
0x67: {  	[hbm4b:s1+s2] =	stream.linear.scatter [tilespmem:s2], [sflag:$0x3], $0xC800, $0x38;
	[tilespmem:$0x19000] =	vst v63  }
0x68: {  	_ =	swait.ge [sflag:s4], $0xC800  }
0x69: {  	[sflag:s4] =	ssyncset.done $0x0  }
0x6a: {  	s1 =	rddreg [dreg:$0x11];
	[sflag:s4] =	ssyncadd.s32 $0xFFFF3800  }
0x6b: {  	[tilespmem:s2], [sflag:$0x1] =	stream.linear.gather [hbm4b:s1+s2], $0xC800, $0x38;
	[tilespmem:$0x19000] =	vst v63  }
0x6c: {  	_ =	swait.ge [sflag:s13], $0xC800  }
0x6d: {  	[sflag:s13] =	ssyncset.done $0x0  }
0x6e: {  	s1 =	rddreg [dreg:$0x12];
	[sflag:s13] =	ssyncadd.s32 $0xFFFF3800  }
0x6f: {  	[hbm4b:s1+s2] =	stream.linear.scatter [tilespmem:s10], [sflag:$0x4], $0xC800, $0x38;
	[tilespmem:$0x19000] =	vst v63  }
0x70: {  	_ =	swait.ge [sflag:s7], $0xC800  }
0x71: {  	[sflag:s7] =	ssyncset.done $0x0  }
0x72: {  	s1 =	rddreg [dreg:$0x13];
	[sflag:s7] =	ssyncadd.s32 $0xFFFF3800  }
0x73: {  	[tilespmem:s10], [sflag:$0x2] =	stream.linear.gather [hbm4b:s1+s2], $0xC800, $0x38;
	[tilespmem:$0x19000] =	vst v63  }
0x74: {  	_ =	swait.ge [sflag:s8], $0xC800  }
0x75: {  	[sflag:s8] =	ssyncset.done $0x0  }
0x76: {  	s1 =	rddreg [dreg:$0x14];
	[sflag:s8] =	ssyncadd.s32 $0xFFFF3800  }
0x77: {  	[hbm4b:s1+s2] =	stream.linear.scatter [tilespmem:s2], [sflag:$0x3], $0xC800, $0x38;
	[tilespmem:$0x19000] =	vst v63  }
0x78: {  	_ =	swait.ge [sflag:s4], $0xC800  }
0x79: {  	[sflag:s4] =	ssyncset.done $0x0  }
0x7a: {  	s1 =	rddreg [dreg:$0x15];
	[sflag:s4] =	ssyncadd.s32 $0xFFFF3800  }
0x7b: {  	[tilespmem:s2], [sflag:$0x1] =	stream.linear.gather [hbm4b:s1+s2], $0xC800, $0x38;
	[tilespmem:$0x19000] =	vst v63  }
0x7c: {  	_ =	swait.ge [sflag:s13], $0xC800  }
0x7d: {  	[sflag:s13] =	ssyncset.done $0x0  }
0x7e: {  	s1 =	rddreg [dreg:$0x16];
	[sflag:s13] =	ssyncadd.s32 $0xFFFF3800  }
0x7f: {  	[hbm4b:s1+s2] =	stream.linear.scatter [tilespmem:s10], [sflag:$0x4], $0xC800, $0x38;
	[tilespmem:$0x19000] =	vst v63  }
0x80: {  	_ =	swait.ge [sflag:s7], $0xC800  }
0x81: {  	[sflag:s7] =	ssyncset.done $0x0  }
0x82: {  	s1 =	rddreg [dreg:$0x17];
	[sflag:s7] =	ssyncadd.s32 $0xFFFF3800  }
0x83: {  	[tilespmem:s10], [sflag:$0x2] =	stream.linear.gather [hbm4b:s1+s2], $0xC800, $0x38;
	[tilespmem:$0x19000] =	vst v63  }
0x84: {  	_ =	swait.ge [sflag:s8], $0xC800  }
0x85: {  	[sflag:s8] =	ssyncset.done $0x0  }
0x86: {  	s1 =	rddreg [dreg:$0x18];
	[sflag:s8] =	ssyncadd.s32 $0xFFFF3800  }
0x87: {  	[hbm4b:s1+s2] =	stream.linear.scatter [tilespmem:s2], [sflag:$0x3], $0xC800, $0x38;
	[tilespmem:$0x19000] =	vst v63  }
0x88: {  	_ =	swait.ge [sflag:s4], $0xC800  }
0x89: {  	[sflag:s4] =	ssyncset.done $0x0  }
0x8a: {  	s1 =	rddreg [dreg:$0x19];
	[sflag:s4] =	ssyncadd.s32 $0xFFFF3800  }
0x8b: {  	[tilespmem:s2], [sflag:$0x1] =	stream.linear.gather [hbm4b:s1+s2], $0xC800, $0x38;
	[tilespmem:$0x19000] =	vst v63  }
0x8c: {  	_ =	swait.ge [sflag:s13], $0xC800  }
0x8d: {  	[sflag:s13] =	ssyncset.done $0x0  }
0x8e: {  	s1 =	rddreg [dreg:$0x1a];
	[sflag:s13] =	ssyncadd.s32 $0xFFFF3800  }
0x8f: {  	[hbm4b:s1+s2] =	stream.linear.scatter [tilespmem:s10], [sflag:$0x4], $0xC800, $0x38;
	[tilespmem:$0x19000] =	vst v63  }
0x90: {  	_ =	swait.ge [sflag:s7], $0xC800  }
0x91: {  	[sflag:s7] =	ssyncset.done $0x0  }
0x92: {  	s1 =	rddreg [dreg:$0x1b];
	[sflag:s7] =	ssyncadd.s32 $0xFFFF3800  }
0x93: {  	[tilespmem:s10], [sflag:$0x2] =	stream.linear.gather [hbm4b:s1+s2], $0xC800, $0x38;
	[tilespmem:$0x19000] =	vst v63  }
0x94: {  	_ =	swait.ge [sflag:s8], $0xC800  }
0x95: {  	[sflag:s8] =	ssyncset.done $0x0  }
0x96: {  	s1 =	rddreg [dreg:$0x1c];
	[sflag:s8] =	ssyncadd.s32 $0xFFFF3800  }
0x97: {  	[hbm4b:s1+s2] =	stream.linear.scatter [tilespmem:s2], [sflag:$0x3], $0xC800, $0x38;
	[tilespmem:$0x19000] =	vst v63  }
0x98: {  	_ =	swait.ge [sflag:s4], $0xC800  }
0x99: {  	[sflag:s4] =	ssyncset.done $0x0  }
0x9a: {  	[sflag:s4] =	ssyncadd.s32 $0xFFFF3800  }
0x9b: {  	[tilespmem:s2], [sflag:$0x1] =	stream.linear.gather [hbm4b:s31+s2], $0xC800, $0x38;
	[tilespmem:$0x19000] =	vst v63  }
0x9c: {  	_ =	swait.ge [sflag:s13], $0xC800  }
0x9d: {  	[sflag:s13] =	ssyncset.done $0x0  }
0x9e: {  	[sflag:s13] =	ssyncadd.s32 $0xFFFF3800  }
0x9f: {  	[hbm4b:s30+s2] =	stream.linear.scatter [tilespmem:s10], [sflag:$0x4], $0xC800, $0x38;
	[tilespmem:$0x19000] =	vst v63  }
0xa0: {  	_ =	swait.ge [sflag:s7], $0xC800  }
0xa1: {  	[sflag:s7] =	ssyncset.done $0x0  }
0xa2: {  	[sflag:s7] =	ssyncadd.s32 $0xFFFF3800  }
0xa3: {  	[tilespmem:s10], [sflag:$0x2] =	stream.linear.gather [hbm4b:s29+s2], $0xC800, $0x38;
	[tilespmem:$0x19000] =	vst v63  }
0xa4: {  	_ =	swait.ge [sflag:s8], $0xC800  }
0xa5: {  	[sflag:s8] =	ssyncset.done $0x0  }
0xa6: {  	[sflag:s8] =	ssyncadd.s32 $0xFFFF3800  }
0xa7: {  	[hbm4b:s28+s2] =	stream.linear.scatter [tilespmem:s2], [sflag:$0x3], $0xC800, $0x38;
	[tilespmem:$0x19000] =	vst v63  }
0xa8: {  	_ =	swait.ge [sflag:s4], $0xC800  }
0xa9: {  	[sflag:s4] =	ssyncset.done $0x0  }
0xaa: {  	[sflag:s4] =	ssyncadd.s32 $0xFFFF3800  }
0xab: {  	[tilespmem:s2], [sflag:$0x1] =	stream.linear.gather [hbm4b:s26+s2], $0xC800, $0x38;
	[tilespmem:$0x19000] =	vst v63  }
0xac: {  	_ =	swait.ge [sflag:s13], $0xC800  }
0xad: {  	[sflag:s13] =	ssyncset.done $0x0  }
0xae: {  	[sflag:s13] =	ssyncadd.s32 $0xFFFF3800  }
0xaf: {  	[hbm4b:s25+s2] =	stream.linear.scatter [tilespmem:s10], [sflag:$0x4], $0xC800, $0x38;
	[tilespmem:$0x19000] =	vst v63  }
0xb0: {  	_ =	swait.ge [sflag:s7], $0xC800  }
0xb1: {  	[sflag:s7] =	ssyncset.done $0x0  }
0xb2: {  	[sflag:s7] =	ssyncadd.s32 $0xFFFF3800  }
0xb3: {  	[tilespmem:s10], [sflag:$0x2] =	stream.linear.gather [hbm4b:s24+s2], $0xC800, $0x38;
	[tilespmem:$0x19000] =	vst v63  }
0xb4: {  	_ =	swait.ge [sflag:s8], $0xC800  }
0xb5: {  	[sflag:s8] =	ssyncset.done $0x0  }
0xb6: {  	[sflag:s8] =	ssyncadd.s32 $0xFFFF3800  }
0xb7: {  	[hbm4b:s23+s2] =	stream.linear.scatter [tilespmem:s2], [sflag:$0x3], $0xC800, $0x38;
	[tilespmem:$0x19000] =	vst v63  }
0xb8: {  	_ =	swait.ge [sflag:s4], $0xC800  }
0xb9: {  	[sflag:s4] =	ssyncset.done $0x0  }
0xba: {  	[sflag:s4] =	ssyncadd.s32 $0xFFFF3800  }
0xbb: {  	[tilespmem:s2], [sflag:$0x1] =	stream.linear.gather [hbm4b:s22+s2], $0xC800, $0x38;
	[tilespmem:$0x19000] =	vst v63  }
0xbc: {  	_ =	swait.ge [sflag:s13], $0xC800  }
0xbd: {  	[sflag:s13] =	ssyncset.done $0x0  }
0xbe: {  	[sflag:s13] =	ssyncadd.s32 $0xFFFF3800  }
0xbf: {  	[hbm4b:s21+s2] =	stream.linear.scatter [tilespmem:s10], [sflag:$0x4], $0xC800, $0x38;
	[tilespmem:$0x19000] =	vst v63  }
0xc0: {  	_ =	swait.ge [sflag:s7], $0xC800  }
0xc1: {  	[sflag:s7] =	ssyncset.done $0x0  }
0xc2: {  	[sflag:s7] =	ssyncadd.s32 $0xFFFF3800  }
0xc3: {  	[tilespmem:s10], [sflag:$0x2] =	stream.linear.gather [hbm4b:s20+s2], $0xC800, $0x38;
	[tilespmem:$0x19000] =	vst v63  }
0xc4: {  	_ =	swait.ge [sflag:s8], $0xC800  }
0xc5: {  	[sflag:s8] =	ssyncset.done $0x0  }
0xc6: {  	[sflag:s8] =	ssyncadd.s32 $0xFFFF3800  }
0xc7: {  	[hbm4b:s19+s2] =	stream.linear.scatter [tilespmem:s2], [sflag:$0x3], $0xC800, $0x38;
	[tilespmem:$0x19000] =	vst v63  }
0xc8: {  	_ =	swait.ge [sflag:s4], $0xC800  }
0xc9: {  	[sflag:s4] =	ssyncset.done $0x0  }
0xca: {  	[sflag:s4] =	ssyncadd.s32 $0xFFFF3800  }
0xcb: {  	[tilespmem:s2], [sflag:$0x1] =	stream.linear.gather [hbm4b:s18+s2], $0xC800, $0x38;
	[tilespmem:$0x19000] =	vst v63  }
0xcc: {  	_ =	swait.ge [sflag:s13], $0xC800  }
0xcd: {  	[sflag:s13] =	ssyncset.done $0x0  }
0xce: {  	[sflag:s13] =	ssyncadd.s32 $0xFFFF3800  }
0xcf: {  	[hbm4b:s17+s2] =	stream.linear.scatter [tilespmem:s10], [sflag:$0x4], $0xC800, $0x38;
	[tilespmem:$0x19000] =	vst v63  }
0xd0: {  	_ =	swait.ge [sflag:s7], $0xC800  }
0xd1: {  	[sflag:s7] =	ssyncset.done $0x0  }
0xd2: {  	[sflag:s7] =	ssyncadd.s32 $0xFFFF3800  }
0xd3: {  	[tilespmem:s10], [sflag:$0x2] =	stream.linear.gather [hbm4b:s16+s2], $0xC800, $0x38;
	[tilespmem:$0x19000] =	vst v63  }
0xd4: {  	_ =	swait.ge [sflag:s8], $0xC800  }
0xd5: {  	[sflag:s8] =	ssyncset.done $0x0  }
0xd6: {  	[sflag:s8] =	ssyncadd.s32 $0xFFFF3800  }
0xd7: {  	[hbm4b:s14+s2] =	stream.linear.scatter [tilespmem:s2], [sflag:$0x3], $0xC800, $0x38;
	[tilespmem:$0x19000] =	vst v63  }
0xd8: {  	_ =	swait.ge [sflag:s4], $0xC800  }
0xd9: {  	[sflag:s4] =	ssyncset.done $0x0  }
0xda: {  	[sflag:s4] =	ssyncadd.s32 $0xFFFF3800  }
0xdb: {  	[tilespmem:s2], [sflag:$0x1] =	stream.linear.gather [hbm4b:s15+s2], $0xC800, $0x38;
	[tilespmem:$0x19000] =	vst v63  }
0xdc: {  	_ =	swait.ge [sflag:s13], $0xC800  }
0xdd: {  	[sflag:s13] =	ssyncset.done $0x0  }
0xde: {  	[sflag:s13] =	ssyncadd.s32 $0xFFFF3800  }
0xdf: {  	[hbm4b:s11+s2] =	stream.linear.scatter [tilespmem:s10], [sflag:$0x4], $0xC800, $0x38;
	[tilespmem:$0x19000] =	vst v63  }
0xe0: {  	_ =	swait.ge [sflag:s7], $0xC800  }
0xe1: {  	[sflag:s7] =	ssyncset.done $0x0  }
0xe2: {  	[sflag:s7] =	ssyncadd.s32 $0xFFFF3800  }
0xe3: {  	[tilespmem:s10], [sflag:$0x2] =	stream.linear.gather [hbm4b:s12+s2], $0xC800, $0x38;
	[tilespmem:$0x19000] =	vst v63  }
0xe4: {  	_ =	swait.ge [sflag:s8], $0xC800  }
0xe5: {  	[sflag:s8] =	ssyncset.done $0x0  }
0xe6: {  	[sflag:s8] =	ssyncadd.s32 $0xFFFF3800  }
0xe7: {  	[hbm4b:s9+s2] =	stream.linear.scatter [tilespmem:s2], [sflag:$0x3], $0xC800, $0x38;
	[tilespmem:$0x19000] =	vst v63  }
0xe8: {  	_ =	swait.ge [sflag:s4], $0xC800  }
0xe9: {  	[sflag:s4] =	ssyncset.done $0x0  }
0xea: {  	[sflag:s4] =	ssyncadd.s32 $0xFFFF3800  }
0xeb: {  	[tilespmem:s2], [sflag:$0x1] =	stream.linear.gather [hbm4b:s6+s2], $0xC800, $0x38;
	[tilespmem:$0x19000] =	vst v63  }
0xec: {  	_ =	swait.ge [sflag:s13], $0xC800  }
0xed: {  	[sflag:s13] =	ssyncset.done $0x0  }
0xee: {  	[sflag:s13] =	ssyncadd.s32 $0xFFFF3800  }
0xef: {  	[hbm4b:s5+s2] =	stream.linear.scatter [tilespmem:s10], [sflag:$0x4], $0xC800, $0x38;
	[tilespmem:$0x19000] =	vst v63  }
0xf0: {  	_ =	swait.ge [sflag:s8], $0xC800  }
0xf1: {  	[sflag:s8] =	ssyncset.done $0x0  }
0xf2: {  	[sflag:s8] =	ssyncadd.s32 $0xFFFF3800  }
0xf3: {  	[hbm4b:s3+s2] =	stream.linear.scatter [tilespmem:s2], [sflag:$0x3], $0xC800, $0x38;
	[tilespmem:$0x19000] =	vst v63  }
0xf4: {  	_ =	swait.ge [sflag:s7], $0xC800  }
0xf5: {  	s1 =	rddreg [dreg:$0x1d]  }
0xf6: {  	p1 =	sne.s32 s1, $0x1  }
.Ltmp1:
0xf7: {  	_ = 	snop;
	(pc) =	sbr.rel @!p1 .LBB2_3-.Ltmp1, $4  }
0xf8: {  	[sflag:s7] =	ssyncset.done $0x0  }
0xf9: {  	[sflag:s7] =	ssyncadd.s32 $0xFFFF3800  }
0xfa: {  	p0 =	por $0x1, $0x1;
	_ =	swait.ge [sflag:s4], $0xC800  }
0xfb: {  	s1 =	sadd.s32 $0xFFFFFFFF, s1;
	s0 =	rddreg [dreg:$0x2];
	[sflag:s4] =	ssyncset.done $0x0  }
.LBB2_2:
0xfc: {  	[sflag:s4] =	ssyncadd.s32 $0xFFFF3800;
	s7 =	simm.s32 $0xC800  }
0xfd: {  	s10 =	smov.u32 s31;
	s31 =	smov.u32 s30;
	s30 =	smov.u32 s29  }
0xfe: {  	s29 =	smov.u32 s28;
	s28 =	smov.u32 s26;
	s26 =	smov.u32 s25  }
0xff: {  	s25 =	smov.u32 s24;
	s24 =	smov.u32 s23;
	s23 =	smov.u32 s22  }
0x100: {  	s22 =	smov.u32 s21;
	s21 =	smov.u32 s20;
	s20 =	smov.u32 s19  }
0x101: {  	s19 =	smov.u32 s18;
	s18 =	smov.u32 s17;
	s17 =	smov.u32 s16  }
0x102: {  	s16 =	smov.u32 s15;
	s15 =	smov.u32 s14;
	s14 =	smov.u32 s12  }
0x103: {  	s12 =	smov.u32 s11;
	s11 =	smov.u32 s9;
	s9 =	smov.u32 s6  }
0x104: {  	[tilespmem:s2], [sflag:$0x1] =	stream.linear.gather [hbm4b:s0+s2], $0xC800, $0x38;
	[tilespmem:$0x19000] =	vst v63  }
0x105: {  	s6 =	smov.u32 s5;
	s5 =	smov.u32 s3;
	s3 =	rddreg [dreg:$0x3]  }
0x106: {  	[tilespmem:s7], [sflag:$0x2] =	stream.linear.gather [hbm4b:s3+s2], $0xC800, $0x38;
	[tilespmem:$0x19000] =	vst v63  }
0x107: {  	s7 =	simm.s32 $0x4  }
0x108: {  	s3 =	smov.u32 s5;
	s5 =	smov.u32 s6;
	s6 =	smov.u32 s9  }
0x109: {  	s9 =	smov.u32 s11;
	s11 =	smov.u32 s12;
	s12 =	smov.u32 s14  }
0x10a: {  	s14 =	smov.u32 s15;
	s15 =	smov.u32 s16;
	s16 =	smov.u32 s17  }
0x10b: {  	s17 =	smov.u32 s18;
	s18 =	smov.u32 s19;
	_ =	swait.ge [sflag:s8], $0xC800  }
0x10c: {  	s19 =	smov.u32 s20;
	s20 =	smov.u32 s21;
	[sflag:s8] =	ssyncset.done $0x0  }
0x10d: {  	s21 =	smov.u32 s22;
	s0 =	rddreg [dreg:$0x4];
	[sflag:s8] =	ssyncadd.s32 $0xFFFF3800  }
0x10e: {  	[hbm4b:s0+s2] =	stream.linear.scatter [tilespmem:s2], [sflag:$0x3], $0xC800, $0x38;
	[tilespmem:$0x19000] =	vst v63  }
0x10f: {  	s22 =	smov.u32 s23;
	s23 =	smov.u32 s24;
	_ =	swait.ge [sflag:s4], $0xC800  }
0x110: {  	s24 =	smov.u32 s25;
	s25 =	smov.u32 s26;
	[sflag:s4] =	ssyncset.done $0x0  }
0x111: {  	s26 =	smov.u32 s28;
	s0 =	rddreg [dreg:$0x5];
	[sflag:s4] =	ssyncadd.s32 $0xFFFF3800  }
0x112: {  	[tilespmem:s2], [sflag:$0x1] =	stream.linear.gather [hbm4b:s0+s2], $0xC800, $0x38;
	[tilespmem:$0x19000] =	vst v63  }
0x113: {  	s28 =	smov.u32 s29;
	s29 =	smov.u32 s30;
	_ =	swait.ge [sflag:s13], $0xC800  }
0x114: {  	s30 =	smov.u32 s31;
	s31 =	smov.u32 s10;
	[sflag:s13] =	ssyncset.done $0x0  }
0x115: {  	s10 =	simm.s32 $0xC800;
	s0 =	rddreg [dreg:$0x6];
	[sflag:s13] =	ssyncadd.s32 $0xFFFF3800  }
0x116: {  	[hbm4b:s0+s2] =	stream.linear.scatter [tilespmem:s10], [sflag:$0x4], $0xC800, $0x38;
	[tilespmem:$0x19000] =	vst v63  }
0x117: {  	_ =	swait.ge [sflag:s7], $0xC800  }
0x118: {  	[sflag:s7] =	ssyncset.done $0x0  }
0x119: {  	s0 =	rddreg [dreg:$0x7];
	[sflag:s7] =	ssyncadd.s32 $0xFFFF3800  }
0x11a: {  	[tilespmem:s10], [sflag:$0x2] =	stream.linear.gather [hbm4b:s0+s2], $0xC800, $0x38;
	[tilespmem:$0x19000] =	vst v63  }
0x11b: {  	_ =	swait.ge [sflag:s8], $0xC800  }
0x11c: {  	[sflag:s8] =	ssyncset.done $0x0  }
0x11d: {  	s0 =	rddreg [dreg:$0x8];
	[sflag:s8] =	ssyncadd.s32 $0xFFFF3800  }
0x11e: {  	[hbm4b:s0+s2] =	stream.linear.scatter [tilespmem:s2], [sflag:$0x3], $0xC800, $0x38;
	[tilespmem:$0x19000] =	vst v63  }
0x11f: {  	_ =	swait.ge [sflag:s4], $0xC800  }
0x120: {  	[sflag:s4] =	ssyncset.done $0x0  }
0x121: {  	s0 =	rddreg [dreg:$0x9];
	[sflag:s4] =	ssyncadd.s32 $0xFFFF3800  }
0x122: {  	[tilespmem:s2], [sflag:$0x1] =	stream.linear.gather [hbm4b:s0+s2], $0xC800, $0x38;
	[tilespmem:$0x19000] =	vst v63  }
0x123: {  	_ =	swait.ge [sflag:s13], $0xC800  }
0x124: {  	[sflag:s13] =	ssyncset.done $0x0  }
0x125: {  	s0 =	rddreg [dreg:$0xa];
	[sflag:s13] =	ssyncadd.s32 $0xFFFF3800  }
0x126: {  	[hbm4b:s0+s2] =	stream.linear.scatter [tilespmem:s10], [sflag:$0x4], $0xC800, $0x38;
	[tilespmem:$0x19000] =	vst v63  }
0x127: {  	_ =	swait.ge [sflag:s7], $0xC800  }
0x128: {  	[sflag:s7] =	ssyncset.done $0x0  }
0x129: {  	s0 =	rddreg [dreg:$0xb];
	[sflag:s7] =	ssyncadd.s32 $0xFFFF3800  }
0x12a: {  	[tilespmem:s10], [sflag:$0x2] =	stream.linear.gather [hbm4b:s0+s2], $0xC800, $0x38;
	[tilespmem:$0x19000] =	vst v63  }
0x12b: {  	_ =	swait.ge [sflag:s8], $0xC800  }
0x12c: {  	[sflag:s8] =	ssyncset.done $0x0  }
0x12d: {  	s0 =	rddreg [dreg:$0xc];
	[sflag:s8] =	ssyncadd.s32 $0xFFFF3800  }
0x12e: {  	[hbm4b:s0+s2] =	stream.linear.scatter [tilespmem:s2], [sflag:$0x3], $0xC800, $0x38;
	[tilespmem:$0x19000] =	vst v63  }
0x12f: {  	_ =	swait.ge [sflag:s4], $0xC800  }
0x130: {  	[sflag:s4] =	ssyncset.done $0x0  }
0x131: {  	s0 =	rddreg [dreg:$0xd];
	[sflag:s4] =	ssyncadd.s32 $0xFFFF3800  }
0x132: {  	[tilespmem:s2], [sflag:$0x1] =	stream.linear.gather [hbm4b:s0+s2], $0xC800, $0x38;
	[tilespmem:$0x19000] =	vst v63  }
0x133: {  	_ =	swait.ge [sflag:s13], $0xC800  }
0x134: {  	[sflag:s13] =	ssyncset.done $0x0  }
0x135: {  	s0 =	rddreg [dreg:$0xe];
	[sflag:s13] =	ssyncadd.s32 $0xFFFF3800  }
0x136: {  	[hbm4b:s0+s2] =	stream.linear.scatter [tilespmem:s10], [sflag:$0x4], $0xC800, $0x38;
	[tilespmem:$0x19000] =	vst v63  }
0x137: {  	_ =	swait.ge [sflag:s7], $0xC800  }
0x138: {  	[sflag:s7] =	ssyncset.done $0x0  }
0x139: {  	s0 =	rddreg [dreg:$0xf];
	[sflag:s7] =	ssyncadd.s32 $0xFFFF3800  }
0x13a: {  	[tilespmem:s10], [sflag:$0x2] =	stream.linear.gather [hbm4b:s0+s2], $0xC800, $0x38;
	[tilespmem:$0x19000] =	vst v63  }
0x13b: {  	_ =	swait.ge [sflag:s8], $0xC800  }
0x13c: {  	[sflag:s8] =	ssyncset.done $0x0  }
0x13d: {  	s0 =	rddreg [dreg:$0x10];
	[sflag:s8] =	ssyncadd.s32 $0xFFFF3800  }
0x13e: {  	[hbm4b:s0+s2] =	stream.linear.scatter [tilespmem:s2], [sflag:$0x3], $0xC800, $0x38;
	[tilespmem:$0x19000] =	vst v63  }
0x13f: {  	_ =	swait.ge [sflag:s4], $0xC800  }
0x140: {  	[sflag:s4] =	ssyncset.done $0x0  }
0x141: {  	s0 =	rddreg [dreg:$0x11];
	[sflag:s4] =	ssyncadd.s32 $0xFFFF3800  }
0x142: {  	[tilespmem:s2], [sflag:$0x1] =	stream.linear.gather [hbm4b:s0+s2], $0xC800, $0x38;
	[tilespmem:$0x19000] =	vst v63  }
0x143: {  	_ =	swait.ge [sflag:s13], $0xC800  }
0x144: {  	[sflag:s13] =	ssyncset.done $0x0  }
0x145: {  	s0 =	rddreg [dreg:$0x12];
	[sflag:s13] =	ssyncadd.s32 $0xFFFF3800  }
0x146: {  	[hbm4b:s0+s2] =	stream.linear.scatter [tilespmem:s10], [sflag:$0x4], $0xC800, $0x38;
	[tilespmem:$0x19000] =	vst v63  }
0x147: {  	_ =	swait.ge [sflag:s7], $0xC800  }
0x148: {  	[sflag:s7] =	ssyncset.done $0x0  }
0x149: {  	s0 =	rddreg [dreg:$0x13];
	[sflag:s7] =	ssyncadd.s32 $0xFFFF3800  }
0x14a: {  	[tilespmem:s10], [sflag:$0x2] =	stream.linear.gather [hbm4b:s0+s2], $0xC800, $0x38;
	[tilespmem:$0x19000] =	vst v63  }
0x14b: {  	_ =	swait.ge [sflag:s8], $0xC800  }
0x14c: {  	[sflag:s8] =	ssyncset.done $0x0  }
0x14d: {  	s0 =	rddreg [dreg:$0x14];
	[sflag:s8] =	ssyncadd.s32 $0xFFFF3800  }
0x14e: {  	[hbm4b:s0+s2] =	stream.linear.scatter [tilespmem:s2], [sflag:$0x3], $0xC800, $0x38;
	[tilespmem:$0x19000] =	vst v63  }
0x14f: {  	_ =	swait.ge [sflag:s4], $0xC800  }
0x150: {  	[sflag:s4] =	ssyncset.done $0x0  }
0x151: {  	s0 =	rddreg [dreg:$0x15];
	[sflag:s4] =	ssyncadd.s32 $0xFFFF3800  }
0x152: {  	[tilespmem:s2], [sflag:$0x1] =	stream.linear.gather [hbm4b:s0+s2], $0xC800, $0x38;
	[tilespmem:$0x19000] =	vst v63  }
0x153: {  	_ =	swait.ge [sflag:s13], $0xC800  }
0x154: {  	[sflag:s13] =	ssyncset.done $0x0  }
0x155: {  	s0 =	rddreg [dreg:$0x16];
	[sflag:s13] =	ssyncadd.s32 $0xFFFF3800  }
0x156: {  	[hbm4b:s0+s2] =	stream.linear.scatter [tilespmem:s10], [sflag:$0x4], $0xC800, $0x38;
	[tilespmem:$0x19000] =	vst v63  }
0x157: {  	_ =	swait.ge [sflag:s7], $0xC800  }
0x158: {  	[sflag:s7] =	ssyncset.done $0x0  }
0x159: {  	s0 =	rddreg [dreg:$0x17];
	[sflag:s7] =	ssyncadd.s32 $0xFFFF3800  }
0x15a: {  	[tilespmem:s10], [sflag:$0x2] =	stream.linear.gather [hbm4b:s0+s2], $0xC800, $0x38;
	[tilespmem:$0x19000] =	vst v63  }
0x15b: {  	_ =	swait.ge [sflag:s8], $0xC800  }
0x15c: {  	[sflag:s8] =	ssyncset.done $0x0  }
0x15d: {  	s0 =	rddreg [dreg:$0x18];
	[sflag:s8] =	ssyncadd.s32 $0xFFFF3800  }
0x15e: {  	[hbm4b:s0+s2] =	stream.linear.scatter [tilespmem:s2], [sflag:$0x3], $0xC800, $0x38;
	[tilespmem:$0x19000] =	vst v63  }
0x15f: {  	_ =	swait.ge [sflag:s4], $0xC800  }
0x160: {  	[sflag:s4] =	ssyncset.done $0x0  }
0x161: {  	s0 =	rddreg [dreg:$0x19];
	[sflag:s4] =	ssyncadd.s32 $0xFFFF3800  }
0x162: {  	[tilespmem:s2], [sflag:$0x1] =	stream.linear.gather [hbm4b:s0+s2], $0xC800, $0x38;
	[tilespmem:$0x19000] =	vst v63  }
0x163: {  	_ =	swait.ge [sflag:s13], $0xC800  }
0x164: {  	[sflag:s13] =	ssyncset.done $0x0  }
0x165: {  	s0 =	rddreg [dreg:$0x1a];
	[sflag:s13] =	ssyncadd.s32 $0xFFFF3800  }
0x166: {  	[hbm4b:s0+s2] =	stream.linear.scatter [tilespmem:s10], [sflag:$0x4], $0xC800, $0x38;
	[tilespmem:$0x19000] =	vst v63  }
0x167: {  	_ =	swait.ge [sflag:s7], $0xC800  }
0x168: {  	[sflag:s7] =	ssyncset.done $0x0  }
0x169: {  	s0 =	rddreg [dreg:$0x1b];
	[sflag:s7] =	ssyncadd.s32 $0xFFFF3800  }
0x16a: {  	[tilespmem:s10], [sflag:$0x2] =	stream.linear.gather [hbm4b:s0+s2], $0xC800, $0x38;
	[tilespmem:$0x19000] =	vst v63  }
0x16b: {  	_ =	swait.ge [sflag:s8], $0xC800  }
0x16c: {  	[sflag:s8] =	ssyncset.done $0x0  }
0x16d: {  	s0 =	rddreg [dreg:$0x1c];
	[sflag:s8] =	ssyncadd.s32 $0xFFFF3800  }
0x16e: {  	[hbm4b:s0+s2] =	stream.linear.scatter [tilespmem:s2], [sflag:$0x3], $0xC800, $0x38;
	[tilespmem:$0x19000] =	vst v63  }
0x16f: {  	_ =	swait.ge [sflag:s4], $0xC800  }
0x170: {  	[sflag:s4] =	ssyncset.done $0x0  }
0x171: {  	[sflag:s4] =	ssyncadd.s32 $0xFFFF3800  }
0x172: {  	[tilespmem:s2], [sflag:$0x1] =	stream.linear.gather [hbm4b:s31+s2], $0xC800, $0x38;
	[tilespmem:$0x19000] =	vst v63  }
0x173: {  	_ =	swait.ge [sflag:s13], $0xC800  }
0x174: {  	[sflag:s13] =	ssyncset.done $0x0  }
0x175: {  	[sflag:s13] =	ssyncadd.s32 $0xFFFF3800  }
0x176: {  	[hbm4b:s30+s2] =	stream.linear.scatter [tilespmem:s10], [sflag:$0x4], $0xC800, $0x38;
	[tilespmem:$0x19000] =	vst v63  }
0x177: {  	_ =	swait.ge [sflag:s7], $0xC800  }
0x178: {  	[sflag:s7] =	ssyncset.done $0x0  }
0x179: {  	[sflag:s7] =	ssyncadd.s32 $0xFFFF3800  }
0x17a: {  	[tilespmem:s10], [sflag:$0x2] =	stream.linear.gather [hbm4b:s29+s2], $0xC800, $0x38;
	[tilespmem:$0x19000] =	vst v63  }
0x17b: {  	_ =	swait.ge [sflag:s8], $0xC800  }
0x17c: {  	[sflag:s8] =	ssyncset.done $0x0  }
0x17d: {  	[sflag:s8] =	ssyncadd.s32 $0xFFFF3800  }
0x17e: {  	[hbm4b:s28+s2] =	stream.linear.scatter [tilespmem:s2], [sflag:$0x3], $0xC800, $0x38;
	[tilespmem:$0x19000] =	vst v63  }
0x17f: {  	_ =	swait.ge [sflag:s4], $0xC800  }
0x180: {  	[sflag:s4] =	ssyncset.done $0x0  }
0x181: {  	[sflag:s4] =	ssyncadd.s32 $0xFFFF3800  }
0x182: {  	[tilespmem:s2], [sflag:$0x1] =	stream.linear.gather [hbm4b:s26+s2], $0xC800, $0x38;
	[tilespmem:$0x19000] =	vst v63  }
0x183: {  	_ =	swait.ge [sflag:s13], $0xC800  }
0x184: {  	[sflag:s13] =	ssyncset.done $0x0  }
0x185: {  	[sflag:s13] =	ssyncadd.s32 $0xFFFF3800  }
0x186: {  	[hbm4b:s25+s2] =	stream.linear.scatter [tilespmem:s10], [sflag:$0x4], $0xC800, $0x38;
	[tilespmem:$0x19000] =	vst v63  }
0x187: {  	_ =	swait.ge [sflag:s7], $0xC800  }
0x188: {  	[sflag:s7] =	ssyncset.done $0x0  }
0x189: {  	[sflag:s7] =	ssyncadd.s32 $0xFFFF3800  }
0x18a: {  	[tilespmem:s10], [sflag:$0x2] =	stream.linear.gather [hbm4b:s24+s2], $0xC800, $0x38;
	[tilespmem:$0x19000] =	vst v63  }
0x18b: {  	_ =	swait.ge [sflag:s8], $0xC800  }
0x18c: {  	[sflag:s8] =	ssyncset.done $0x0  }
0x18d: {  	[sflag:s8] =	ssyncadd.s32 $0xFFFF3800  }
0x18e: {  	[hbm4b:s23+s2] =	stream.linear.scatter [tilespmem:s2], [sflag:$0x3], $0xC800, $0x38;
	[tilespmem:$0x19000] =	vst v63  }
0x18f: {  	_ =	swait.ge [sflag:s4], $0xC800  }
0x190: {  	[sflag:s4] =	ssyncset.done $0x0  }
0x191: {  	[sflag:s4] =	ssyncadd.s32 $0xFFFF3800  }
0x192: {  	[tilespmem:s2], [sflag:$0x1] =	stream.linear.gather [hbm4b:s22+s2], $0xC800, $0x38;
	[tilespmem:$0x19000] =	vst v63  }
0x193: {  	_ =	swait.ge [sflag:s13], $0xC800  }
0x194: {  	[sflag:s13] =	ssyncset.done $0x0  }
0x195: {  	[sflag:s13] =	ssyncadd.s32 $0xFFFF3800  }
0x196: {  	[hbm4b:s21+s2] =	stream.linear.scatter [tilespmem:s10], [sflag:$0x4], $0xC800, $0x38;
	[tilespmem:$0x19000] =	vst v63  }
0x197: {  	_ =	swait.ge [sflag:s7], $0xC800  }
0x198: {  	[sflag:s7] =	ssyncset.done $0x0  }
0x199: {  	[sflag:s7] =	ssyncadd.s32 $0xFFFF3800  }
0x19a: {  	[tilespmem:s10], [sflag:$0x2] =	stream.linear.gather [hbm4b:s20+s2], $0xC800, $0x38;
	[tilespmem:$0x19000] =	vst v63  }
0x19b: {  	_ =	swait.ge [sflag:s8], $0xC800  }
0x19c: {  	[sflag:s8] =	ssyncset.done $0x0  }
0x19d: {  	[sflag:s8] =	ssyncadd.s32 $0xFFFF3800  }
0x19e: {  	[hbm4b:s19+s2] =	stream.linear.scatter [tilespmem:s2], [sflag:$0x3], $0xC800, $0x38;
	[tilespmem:$0x19000] =	vst v63  }
0x19f: {  	_ =	swait.ge [sflag:s4], $0xC800  }
0x1a0: {  	[sflag:s4] =	ssyncset.done $0x0  }
0x1a1: {  	[sflag:s4] =	ssyncadd.s32 $0xFFFF3800  }
0x1a2: {  	[tilespmem:s2], [sflag:$0x1] =	stream.linear.gather [hbm4b:s18+s2], $0xC800, $0x38;
	[tilespmem:$0x19000] =	vst v63  }
0x1a3: {  	_ =	swait.ge [sflag:s13], $0xC800  }
0x1a4: {  	[sflag:s13] =	ssyncset.done $0x0  }
0x1a5: {  	[sflag:s13] =	ssyncadd.s32 $0xFFFF3800  }
0x1a6: {  	[hbm4b:s17+s2] =	stream.linear.scatter [tilespmem:s10], [sflag:$0x4], $0xC800, $0x38;
	[tilespmem:$0x19000] =	vst v63  }
0x1a7: {  	_ =	swait.ge [sflag:s7], $0xC800  }
0x1a8: {  	[sflag:s7] =	ssyncset.done $0x0  }
0x1a9: {  	[sflag:s7] =	ssyncadd.s32 $0xFFFF3800  }
0x1aa: {  	[tilespmem:s10], [sflag:$0x2] =	stream.linear.gather [hbm4b:s16+s2], $0xC800, $0x38;
	[tilespmem:$0x19000] =	vst v63  }
0x1ab: {  	_ =	swait.ge [sflag:s8], $0xC800  }
0x1ac: {  	[sflag:s8] =	ssyncset.done $0x0  }
0x1ad: {  	[sflag:s8] =	ssyncadd.s32 $0xFFFF3800  }
0x1ae: {  	[hbm4b:s14+s2] =	stream.linear.scatter [tilespmem:s2], [sflag:$0x3], $0xC800, $0x38;
	[tilespmem:$0x19000] =	vst v63  }
0x1af: {  	_ =	swait.ge [sflag:s4], $0xC800  }
0x1b0: {  	[sflag:s4] =	ssyncset.done $0x0  }
0x1b1: {  	[sflag:s4] =	ssyncadd.s32 $0xFFFF3800  }
0x1b2: {  	[tilespmem:s2], [sflag:$0x1] =	stream.linear.gather [hbm4b:s15+s2], $0xC800, $0x38;
	[tilespmem:$0x19000] =	vst v63  }
0x1b3: {  	_ =	swait.ge [sflag:s13], $0xC800  }
0x1b4: {  	[sflag:s13] =	ssyncset.done $0x0  }
0x1b5: {  	[sflag:s13] =	ssyncadd.s32 $0xFFFF3800  }
0x1b6: {  	[hbm4b:s11+s2] =	stream.linear.scatter [tilespmem:s10], [sflag:$0x4], $0xC800, $0x38;
	[tilespmem:$0x19000] =	vst v63  }
0x1b7: {  	_ =	swait.ge [sflag:s7], $0xC800  }
0x1b8: {  	[sflag:s7] =	ssyncset.done $0x0  }
0x1b9: {  	[sflag:s7] =	ssyncadd.s32 $0xFFFF3800  }
0x1ba: {  	[tilespmem:s10], [sflag:$0x2] =	stream.linear.gather [hbm4b:s12+s2], $0xC800, $0x38;
	[tilespmem:$0x19000] =	vst v63  }
0x1bb: {  	_ =	swait.ge [sflag:s8], $0xC800  }
0x1bc: {  	[sflag:s8] =	ssyncset.done $0x0  }
0x1bd: {  	[sflag:s8] =	ssyncadd.s32 $0xFFFF3800  }
0x1be: {  	[hbm4b:s9+s2] =	stream.linear.scatter [tilespmem:s2], [sflag:$0x3], $0xC800, $0x38;
	[tilespmem:$0x19000] =	vst v63  }
0x1bf: {  	_ =	swait.ge [sflag:s4], $0xC800  }
0x1c0: {  	[sflag:s4] =	ssyncset.done $0x0  }
0x1c1: {  	[sflag:s4] =	ssyncadd.s32 $0xFFFF3800  }
0x1c2: {  	[tilespmem:s2], [sflag:$0x1] =	stream.linear.gather [hbm4b:s6+s2], $0xC800, $0x38;
	[tilespmem:$0x19000] =	vst v63  }
0x1c3: {  	_ =	swait.ge [sflag:s13], $0xC800  }
0x1c4: {  	[sflag:s13] =	ssyncset.done $0x0  }
0x1c5: {  	[sflag:s13] =	ssyncadd.s32 $0xFFFF3800  }
0x1c6: {  	[hbm4b:s5+s2] =	stream.linear.scatter [tilespmem:s10], [sflag:$0x4], $0xC800, $0x38;
	[tilespmem:$0x19000] =	vst v63  }
0x1c7: {  	_ =	swait.ge [sflag:s8], $0xC800  }
0x1c8: {  	[sflag:s8] =	ssyncset.done $0x0  }
0x1c9: {  	p1 =	sne.s32 s1, $0x1;
	[sflag:s8] =	ssyncadd.s32 $0xFFFF3800  }
0x1ca: {  	[hbm4b:s3+s2] =	stream.linear.scatter [tilespmem:s2], [sflag:$0x3], $0xC800, $0x38;
	[tilespmem:$0x19000] =	vst v63  }
.Ltmp2:
0x1cb: {  	_ =	swait.ge [sflag:s7], $0xC800;
	(pc) =	sbr.rel @p1 .LBB2_2-.Ltmp2, $4  }
0x1cc: {  	[sflag:s7] =	ssyncset.done $0x0  }
0x1cd: {  	[sflag:s7] =	ssyncadd.s32 $0xFFFF3800  }
0x1ce: {  	_ =	swait.ge [sflag:s4], $0xC800  }
0x1cf: {  	s1 =	sadd.s32 $0xFFFFFFFF, s1;
	s0 =	rddreg [dreg:$0x2];
	[sflag:s4] =	ssyncset.done $0x0  }
.LBB2_3:
0x1d0: {  	[sflag:s4] =	ssyncadd.s32 @p0 $0xFFFF3800  }
0x1d1: {  	[tilespmem:s2], [sflag:$0x1] =	stream.linear.gather [hbm4b:s0+s2], $0xC800, $0x38;
	[tilespmem:$0x19000] =	vst v63  }
0x1d2: {  	s1 =	rddreg [dreg:$0x3]  }
0x1d3: {  	[tilespmem:s10], [sflag:$0x2] =	stream.linear.gather [hbm4b:s1+s2], $0xC800, $0x38;
	[tilespmem:$0x19000] =	vst v63  }
0x1d4: {  	_ =	swait.ge [sflag:s8], $0xC800  }
0x1d5: {  	[sflag:s8] =	ssyncset.done $0x0  }
0x1d6: {  	s1 =	rddreg [dreg:$0x4];
	[sflag:s8] =	ssyncadd.s32 $0xFFFF3800  }
0x1d7: {  	[hbm4b:s1+s2] =	stream.linear.scatter [tilespmem:s2], [sflag:$0x3], $0xC800, $0x38;
	[tilespmem:$0x19000] =	vst v63  }
0x1d8: {  	_ =	swait.ge [sflag:s4], $0xC800  }
0x1d9: {  	[sflag:s4] =	ssyncset.done $0x0  }
0x1da: {  	s1 =	rddreg [dreg:$0x5];
	[sflag:s4] =	ssyncadd.s32 $0xFFFF3800  }
0x1db: {  	[tilespmem:s2], [sflag:$0x1] =	stream.linear.gather [hbm4b:s1+s2], $0xC800, $0x38;
	[tilespmem:$0x19000] =	vst v63  }
0x1dc: {  	_ =	swait.ge [sflag:s13], $0xC800  }
0x1dd: {  	[sflag:s13] =	ssyncset.done $0x0  }
0x1de: {  	s1 =	rddreg [dreg:$0x6];
	[sflag:s13] =	ssyncadd.s32 $0xFFFF3800  }
0x1df: {  	[hbm4b:s1+s2] =	stream.linear.scatter [tilespmem:s10], [sflag:$0x4], $0xC800, $0x38;
	[tilespmem:$0x19000] =	vst v63  }
0x1e0: {  	_ =	swait.ge [sflag:s7], $0xC800  }
0x1e1: {  	[sflag:s7] =	ssyncset.done $0x0  }
0x1e2: {  	s1 =	rddreg [dreg:$0x7];
	[sflag:s7] =	ssyncadd.s32 $0xFFFF3800  }
0x1e3: {  	[tilespmem:s10], [sflag:$0x2] =	stream.linear.gather [hbm4b:s1+s2], $0xC800, $0x38;
	[tilespmem:$0x19000] =	vst v63  }
0x1e4: {  	_ =	swait.ge [sflag:s8], $0xC800  }
0x1e5: {  	[sflag:s8] =	ssyncset.done $0x0  }
0x1e6: {  	s1 =	rddreg [dreg:$0x8];
	[sflag:s8] =	ssyncadd.s32 $0xFFFF3800  }
0x1e7: {  	[hbm4b:s1+s2] =	stream.linear.scatter [tilespmem:s2], [sflag:$0x3], $0xC800, $0x38;
	[tilespmem:$0x19000] =	vst v63  }
0x1e8: {  	_ =	swait.ge [sflag:s4], $0xC800  }
0x1e9: {  	[sflag:s4] =	ssyncset.done $0x0  }
0x1ea: {  	s1 =	rddreg [dreg:$0x9];
	[sflag:s4] =	ssyncadd.s32 $0xFFFF3800  }
0x1eb: {  	[tilespmem:s2], [sflag:$0x1] =	stream.linear.gather [hbm4b:s1+s2], $0xC800, $0x38;
	[tilespmem:$0x19000] =	vst v63  }
0x1ec: {  	_ =	swait.ge [sflag:s13], $0xC800  }
0x1ed: {  	[sflag:s13] =	ssyncset.done $0x0  }
0x1ee: {  	s1 =	rddreg [dreg:$0xa];
	[sflag:s13] =	ssyncadd.s32 $0xFFFF3800  }
0x1ef: {  	[hbm4b:s1+s2] =	stream.linear.scatter [tilespmem:s10], [sflag:$0x4], $0xC800, $0x38;
	[tilespmem:$0x19000] =	vst v63  }
0x1f0: {  	_ =	swait.ge [sflag:s7], $0xC800  }
0x1f1: {  	[sflag:s7] =	ssyncset.done $0x0  }
0x1f2: {  	s1 =	rddreg [dreg:$0xb];
	[sflag:s7] =	ssyncadd.s32 $0xFFFF3800  }
0x1f3: {  	[tilespmem:s10], [sflag:$0x2] =	stream.linear.gather [hbm4b:s1+s2], $0xC800, $0x38;
	[tilespmem:$0x19000] =	vst v63  }
0x1f4: {  	_ =	swait.ge [sflag:s8], $0xC800  }
0x1f5: {  	[sflag:s8] =	ssyncset.done $0x0  }
0x1f6: {  	s1 =	rddreg [dreg:$0xc];
	[sflag:s8] =	ssyncadd.s32 $0xFFFF3800  }
0x1f7: {  	[hbm4b:s1+s2] =	stream.linear.scatter [tilespmem:s2], [sflag:$0x3], $0xC800, $0x38;
	[tilespmem:$0x19000] =	vst v63  }
0x1f8: {  	_ =	swait.ge [sflag:s4], $0xC800  }
0x1f9: {  	[sflag:s4] =	ssyncset.done $0x0  }
0x1fa: {  	s1 =	rddreg [dreg:$0xd];
	[sflag:s4] =	ssyncadd.s32 $0xFFFF3800  }
0x1fb: {  	[tilespmem:s2], [sflag:$0x1] =	stream.linear.gather [hbm4b:s1+s2], $0xC800, $0x38;
	[tilespmem:$0x19000] =	vst v63  }
0x1fc: {  	_ =	swait.ge [sflag:s13], $0xC800  }
0x1fd: {  	[sflag:s13] =	ssyncset.done $0x0  }
0x1fe: {  	s1 =	rddreg [dreg:$0xe];
	[sflag:s13] =	ssyncadd.s32 $0xFFFF3800  }
0x1ff: {  	[hbm4b:s1+s2] =	stream.linear.scatter [tilespmem:s10], [sflag:$0x4], $0xC800, $0x38;
	[tilespmem:$0x19000] =	vst v63  }
0x200: {  	_ =	swait.ge [sflag:s7], $0xC800  }
0x201: {  	[sflag:s7] =	ssyncset.done $0x0  }
0x202: {  	s1 =	rddreg [dreg:$0xf];
	[sflag:s7] =	ssyncadd.s32 $0xFFFF3800  }
0x203: {  	[tilespmem:s10], [sflag:$0x2] =	stream.linear.gather [hbm4b:s1+s2], $0xC800, $0x38;
	[tilespmem:$0x19000] =	vst v63  }
0x204: {  	_ =	swait.ge [sflag:s8], $0xC800  }
0x205: {  	[sflag:s8] =	ssyncset.done $0x0  }
0x206: {  	s1 =	rddreg [dreg:$0x10];
	[sflag:s8] =	ssyncadd.s32 $0xFFFF3800  }
0x207: {  	[hbm4b:s1+s2] =	stream.linear.scatter [tilespmem:s2], [sflag:$0x3], $0xC800, $0x38;
	[tilespmem:$0x19000] =	vst v63  }
0x208: {  	_ =	swait.ge [sflag:s4], $0xC800  }
0x209: {  	[sflag:s4] =	ssyncset.done $0x0  }
0x20a: {  	s1 =	rddreg [dreg:$0x11];
	[sflag:s4] =	ssyncadd.s32 $0xFFFF3800  }
0x20b: {  	[tilespmem:s2], [sflag:$0x1] =	stream.linear.gather [hbm4b:s1+s2], $0xC800, $0x38;
	[tilespmem:$0x19000] =	vst v63  }
0x20c: {  	_ =	swait.ge [sflag:s13], $0xC800  }
0x20d: {  	[sflag:s13] =	ssyncset.done $0x0  }
0x20e: {  	s1 =	rddreg [dreg:$0x12];
	[sflag:s13] =	ssyncadd.s32 $0xFFFF3800  }
0x20f: {  	[hbm4b:s1+s2] =	stream.linear.scatter [tilespmem:s10], [sflag:$0x4], $0xC800, $0x38;
	[tilespmem:$0x19000] =	vst v63  }
0x210: {  	_ =	swait.ge [sflag:s7], $0xC800  }
0x211: {  	[sflag:s7] =	ssyncset.done $0x0  }
0x212: {  	s1 =	rddreg [dreg:$0x13];
	[sflag:s7] =	ssyncadd.s32 $0xFFFF3800  }
0x213: {  	[tilespmem:s10], [sflag:$0x2] =	stream.linear.gather [hbm4b:s1+s2], $0xC800, $0x38;
	[tilespmem:$0x19000] =	vst v63  }
0x214: {  	_ =	swait.ge [sflag:s8], $0xC800  }
0x215: {  	[sflag:s8] =	ssyncset.done $0x0  }
0x216: {  	s1 =	rddreg [dreg:$0x14];
	[sflag:s8] =	ssyncadd.s32 $0xFFFF3800  }
0x217: {  	[hbm4b:s1+s2] =	stream.linear.scatter [tilespmem:s2], [sflag:$0x3], $0xC800, $0x38;
	[tilespmem:$0x19000] =	vst v63  }
0x218: {  	_ =	swait.ge [sflag:s4], $0xC800  }
0x219: {  	[sflag:s4] =	ssyncset.done $0x0  }
0x21a: {  	s1 =	rddreg [dreg:$0x15];
	[sflag:s4] =	ssyncadd.s32 $0xFFFF3800  }
0x21b: {  	[tilespmem:s2], [sflag:$0x1] =	stream.linear.gather [hbm4b:s1+s2], $0xC800, $0x38;
	[tilespmem:$0x19000] =	vst v63  }
0x21c: {  	_ =	swait.ge [sflag:s13], $0xC800  }
0x21d: {  	[sflag:s13] =	ssyncset.done $0x0  }
0x21e: {  	s1 =	rddreg [dreg:$0x16];
	[sflag:s13] =	ssyncadd.s32 $0xFFFF3800  }
0x21f: {  	[hbm4b:s1+s2] =	stream.linear.scatter [tilespmem:s10], [sflag:$0x4], $0xC800, $0x38;
	[tilespmem:$0x19000] =	vst v63  }
0x220: {  	_ =	swait.ge [sflag:s7], $0xC800  }
0x221: {  	[sflag:s7] =	ssyncset.done $0x0  }
0x222: {  	s1 =	rddreg [dreg:$0x17];
	[sflag:s7] =	ssyncadd.s32 $0xFFFF3800  }
0x223: {  	[tilespmem:s10], [sflag:$0x2] =	stream.linear.gather [hbm4b:s1+s2], $0xC800, $0x38;
	[tilespmem:$0x19000] =	vst v63  }
0x224: {  	_ =	swait.ge [sflag:s8], $0xC800  }
0x225: {  	[sflag:s8] =	ssyncset.done $0x0  }
0x226: {  	s1 =	rddreg [dreg:$0x18];
	[sflag:s8] =	ssyncadd.s32 $0xFFFF3800  }
0x227: {  	[hbm4b:s1+s2] =	stream.linear.scatter [tilespmem:s2], [sflag:$0x3], $0xC800, $0x38;
	[tilespmem:$0x19000] =	vst v63  }
0x228: {  	_ =	swait.ge [sflag:s4], $0xC800  }
0x229: {  	[sflag:s4] =	ssyncset.done $0x0  }
0x22a: {  	s1 =	rddreg [dreg:$0x19];
	[sflag:s4] =	ssyncadd.s32 $0xFFFF3800  }
0x22b: {  	[tilespmem:s2], [sflag:$0x1] =	stream.linear.gather [hbm4b:s1+s2], $0xC800, $0x38;
	[tilespmem:$0x19000] =	vst v63  }
0x22c: {  	_ =	swait.ge [sflag:s13], $0xC800  }
0x22d: {  	[sflag:s13] =	ssyncset.done $0x0  }
0x22e: {  	s1 =	rddreg [dreg:$0x1a];
	[sflag:s13] =	ssyncadd.s32 $0xFFFF3800  }
0x22f: {  	[hbm4b:s1+s2] =	stream.linear.scatter [tilespmem:s10], [sflag:$0x4], $0xC800, $0x38;
	[tilespmem:$0x19000] =	vst v63  }
0x230: {  	_ =	swait.ge [sflag:s7], $0xC800  }
0x231: {  	[sflag:s7] =	ssyncset.done $0x0  }
0x232: {  	s1 =	rddreg [dreg:$0x1b];
	[sflag:s7] =	ssyncadd.s32 $0xFFFF3800  }
0x233: {  	[tilespmem:s10], [sflag:$0x2] =	stream.linear.gather [hbm4b:s1+s2], $0xC800, $0x38;
	[tilespmem:$0x19000] =	vst v63  }
0x234: {  	_ =	swait.ge [sflag:s8], $0xC800  }
0x235: {  	[sflag:s8] =	ssyncset.done $0x0  }
0x236: {  	s1 =	rddreg [dreg:$0x1c];
	[sflag:s8] =	ssyncadd.s32 $0xFFFF3800  }
0x237: {  	[hbm4b:s1+s2] =	stream.linear.scatter [tilespmem:s2], [sflag:$0x3], $0xC800, $0x38;
	[tilespmem:$0x19000] =	vst v63  }
0x238: {  	_ =	swait.ge [sflag:s4], $0xC800  }
0x239: {  	[sflag:s4] =	ssyncset.done $0x0  }
0x23a: {  	[sflag:s4] =	ssyncadd.s32 $0xFFFF3800  }
0x23b: {  	[tilespmem:s2], [sflag:$0x1] =	stream.linear.gather [hbm4b:s31+s2], $0xC800, $0x38;
	[tilespmem:$0x19000] =	vst v63  }
0x23c: {  	_ =	swait.ge [sflag:s13], $0xC800  }
0x23d: {  	[sflag:s13] =	ssyncset.done $0x0  }
0x23e: {  	[sflag:s13] =	ssyncadd.s32 $0xFFFF3800  }
0x23f: {  	[hbm4b:s30+s2] =	stream.linear.scatter [tilespmem:s10], [sflag:$0x4], $0xC800, $0x38;
	[tilespmem:$0x19000] =	vst v63  }
0x240: {  	_ =	swait.ge [sflag:s7], $0xC800  }
0x241: {  	[sflag:s7] =	ssyncset.done $0x0  }
0x242: {  	[sflag:s7] =	ssyncadd.s32 $0xFFFF3800  }
0x243: {  	[tilespmem:s10], [sflag:$0x2] =	stream.linear.gather [hbm4b:s29+s2], $0xC800, $0x38;
	[tilespmem:$0x19000] =	vst v63  }
0x244: {  	_ =	swait.ge [sflag:s8], $0xC800  }
0x245: {  	[sflag:s8] =	ssyncset.done $0x0  }
0x246: {  	[sflag:s8] =	ssyncadd.s32 $0xFFFF3800  }
0x247: {  	[hbm4b:s28+s2] =	stream.linear.scatter [tilespmem:s2], [sflag:$0x3], $0xC800, $0x38;
	[tilespmem:$0x19000] =	vst v63  }
0x248: {  	_ =	swait.ge [sflag:s4], $0xC800  }
0x249: {  	[sflag:s4] =	ssyncset.done $0x0  }
0x24a: {  	[sflag:s4] =	ssyncadd.s32 $0xFFFF3800  }
0x24b: {  	[tilespmem:s2], [sflag:$0x1] =	stream.linear.gather [hbm4b:s26+s2], $0xC800, $0x38;
	[tilespmem:$0x19000] =	vst v63  }
0x24c: {  	_ =	swait.ge [sflag:s13], $0xC800  }
0x24d: {  	[sflag:s13] =	ssyncset.done $0x0  }
0x24e: {  	[sflag:s13] =	ssyncadd.s32 $0xFFFF3800  }
0x24f: {  	[hbm4b:s25+s2] =	stream.linear.scatter [tilespmem:s10], [sflag:$0x4], $0xC800, $0x38;
	[tilespmem:$0x19000] =	vst v63  }
0x250: {  	_ =	swait.ge [sflag:s7], $0xC800  }
0x251: {  	[sflag:s7] =	ssyncset.done $0x0  }
0x252: {  	[sflag:s7] =	ssyncadd.s32 $0xFFFF3800  }
0x253: {  	[tilespmem:s10], [sflag:$0x2] =	stream.linear.gather [hbm4b:s24+s2], $0xC800, $0x38;
	[tilespmem:$0x19000] =	vst v63  }
0x254: {  	_ =	swait.ge [sflag:s8], $0xC800  }
0x255: {  	[sflag:s8] =	ssyncset.done $0x0  }
0x256: {  	[sflag:s8] =	ssyncadd.s32 $0xFFFF3800  }
0x257: {  	[hbm4b:s23+s2] =	stream.linear.scatter [tilespmem:s2], [sflag:$0x3], $0xC800, $0x38;
	[tilespmem:$0x19000] =	vst v63  }
0x258: {  	_ =	swait.ge [sflag:s4], $0xC800  }
0x259: {  	[sflag:s4] =	ssyncset.done $0x0  }
0x25a: {  	[sflag:s4] =	ssyncadd.s32 $0xFFFF3800  }
0x25b: {  	[tilespmem:s2], [sflag:$0x1] =	stream.linear.gather [hbm4b:s22+s2], $0xC800, $0x38;
	[tilespmem:$0x19000] =	vst v63  }
0x25c: {  	_ =	swait.ge [sflag:s13], $0xC800  }
0x25d: {  	[sflag:s13] =	ssyncset.done $0x0  }
0x25e: {  	[sflag:s13] =	ssyncadd.s32 $0xFFFF3800  }
0x25f: {  	[hbm4b:s21+s2] =	stream.linear.scatter [tilespmem:s10], [sflag:$0x4], $0xC800, $0x38;
	[tilespmem:$0x19000] =	vst v63  }
0x260: {  	_ =	swait.ge [sflag:s7], $0xC800  }
0x261: {  	[sflag:s7] =	ssyncset.done $0x0  }
0x262: {  	[sflag:s7] =	ssyncadd.s32 $0xFFFF3800  }
0x263: {  	[tilespmem:s10], [sflag:$0x2] =	stream.linear.gather [hbm4b:s20+s2], $0xC800, $0x38;
	[tilespmem:$0x19000] =	vst v63  }
0x264: {  	_ =	swait.ge [sflag:s8], $0xC800  }
0x265: {  	[sflag:s8] =	ssyncset.done $0x0  }
0x266: {  	[sflag:s8] =	ssyncadd.s32 $0xFFFF3800  }
0x267: {  	[hbm4b:s19+s2] =	stream.linear.scatter [tilespmem:s2], [sflag:$0x3], $0xC800, $0x38;
	[tilespmem:$0x19000] =	vst v63  }
0x268: {  	_ =	swait.ge [sflag:s4], $0xC800  }
0x269: {  	[sflag:s4] =	ssyncset.done $0x0  }
0x26a: {  	[sflag:s4] =	ssyncadd.s32 $0xFFFF3800  }
0x26b: {  	[tilespmem:s2], [sflag:$0x1] =	stream.linear.gather [hbm4b:s18+s2], $0xC800, $0x38;
	[tilespmem:$0x19000] =	vst v63  }
0x26c: {  	_ =	swait.ge [sflag:s13], $0xC800  }
0x26d: {  	[sflag:s13] =	ssyncset.done $0x0  }
0x26e: {  	[sflag:s13] =	ssyncadd.s32 $0xFFFF3800  }
0x26f: {  	[hbm4b:s17+s2] =	stream.linear.scatter [tilespmem:s10], [sflag:$0x4], $0xC800, $0x38;
	[tilespmem:$0x19000] =	vst v63  }
0x270: {  	_ =	swait.ge [sflag:s7], $0xC800  }
0x271: {  	[sflag:s7] =	ssyncset.done $0x0  }
0x272: {  	[sflag:s7] =	ssyncadd.s32 $0xFFFF3800  }
0x273: {  	[tilespmem:s10], [sflag:$0x2] =	stream.linear.gather [hbm4b:s16+s2], $0xC800, $0x38;
	[tilespmem:$0x19000] =	vst v63  }
0x274: {  	_ =	swait.ge [sflag:s8], $0xC800  }
0x275: {  	[sflag:s8] =	ssyncset.done $0x0  }
0x276: {  	[sflag:s8] =	ssyncadd.s32 $0xFFFF3800  }
0x277: {  	[hbm4b:s14+s2] =	stream.linear.scatter [tilespmem:s2], [sflag:$0x3], $0xC800, $0x38;
	[tilespmem:$0x19000] =	vst v63  }
0x278: {  	_ =	swait.ge [sflag:s4], $0xC800  }
0x279: {  	[sflag:s4] =	ssyncset.done $0x0  }
0x27a: {  	[sflag:s4] =	ssyncadd.s32 $0xFFFF3800  }
0x27b: {  	[tilespmem:s2], [sflag:$0x1] =	stream.linear.gather [hbm4b:s15+s2], $0xC800, $0x38;
	[tilespmem:$0x19000] =	vst v63  }
0x27c: {  	_ =	swait.ge [sflag:s13], $0xC800  }
0x27d: {  	[sflag:s13] =	ssyncset.done $0x0  }
0x27e: {  	[sflag:s13] =	ssyncadd.s32 $0xFFFF3800  }
0x27f: {  	[hbm4b:s11+s2] =	stream.linear.scatter [tilespmem:s10], [sflag:$0x4], $0xC800, $0x38;
	[tilespmem:$0x19000] =	vst v63  }
0x280: {  	_ =	swait.ge [sflag:s7], $0xC800  }
0x281: {  	[sflag:s7] =	ssyncset.done $0x0  }
0x282: {  	[sflag:s7] =	ssyncadd.s32 $0xFFFF3800  }
0x283: {  	[tilespmem:s10], [sflag:$0x2] =	stream.linear.gather [hbm4b:s12+s2], $0xC800, $0x38;
	[tilespmem:$0x19000] =	vst v63  }
0x284: {  	_ =	swait.ge [sflag:s8], $0xC800  }
0x285: {  	[sflag:s8] =	ssyncset.done $0x0  }
0x286: {  	[sflag:s8] =	ssyncadd.s32 $0xFFFF3800  }
0x287: {  	[hbm4b:s9+s2] =	stream.linear.scatter [tilespmem:s2], [sflag:$0x3], $0xC800, $0x38;
	[tilespmem:$0x19000] =	vst v63  }
0x288: {  	_ =	swait.ge [sflag:s4], $0xC800  }
0x289: {  	[sflag:s4] =	ssyncset.done $0x0  }
0x28a: {  	[sflag:s4] =	ssyncadd.s32 $0xFFFF3800  }
0x28b: {  	[tilespmem:s2], [sflag:$0x1] =	stream.linear.gather [hbm4b:s6+s2], $0xC800, $0x38;
	[tilespmem:$0x19000] =	vst v63  }
0x28c: {  	_ =	swait.ge [sflag:s13], $0xC800  }
0x28d: {  	[sflag:s13] =	ssyncset.done $0x0  }
0x28e: {  	[sflag:s13] =	ssyncadd.s32 $0xFFFF3800  }
0x28f: {  	[hbm4b:s5+s2] =	stream.linear.scatter [tilespmem:s10], [sflag:$0x4], $0xC800, $0x38;
	[tilespmem:$0x19000] =	vst v63  }
0x290: {  	_ =	swait.ge [sflag:s8], $0xC800  }
0x291: {  	[sflag:s8] =	ssyncset.done $0x0  }
0x292: {  	[sflag:s8] =	ssyncadd.s32 $0xFFFF3800  }
0x293: {  	[hbm4b:s3+s2] =	stream.linear.scatter [tilespmem:s2], [sflag:$0x3], $0xC800, $0x38;
	[tilespmem:$0x19000] =	vst v63  }
0x294: {  	_ =	swait.ge [sflag:s7], $0xC800  }
0x295: {  	[sflag:s7] =	ssyncset.done $0x0  }
0x296: {  	[sflag:s7] =	ssyncadd.s32 $0xFFFF3800  }
0x297: {  	_ =	swait.ge [sflag:s4], $0xC800  }
0x298: {  	[sflag:s4] =	ssyncset.done $0x0  }
0x299: {  	[sflag:s4] =	ssyncadd.s32 $0xFFFF3800  }
0x29a: {  	_ =	sfence.sel $0x180000  }
0x29b: {  	[bflag:$0x0] =	sbarrier.arrive $0xFFFF  }
0x29c: {  	_ =	strace $0x90000047  }
0x29d: {  	s31 =	stileid.u32;
	[bflag:$0x2] =	sbarrier.arrive $0xFFFF  }
0x29e: {  	p0 =	sne.s32 s31, $0x0;
	s0 =	rddreg [dreg:$0x1]  }
0x29f: {  	s0 =	sadd.s32 @!p0 $0x100000, s0  }
0x2a0: {  	[sflag:s0] =	ssyncadd.tile.s32 @!p0 $0x1;
	_ =	shalt  }
.Lfunc_end2:
_tile_overlayer_lowered:
.L_overlay_start_2:
0x2a1: {  	(tag) =	ssettag $0x2  }
0x2a2: {  	s0 =	rddreg [dreg:$0x0];
	s2 =	stileid.u32  }
0x2a3: {  	s1 =	rddreg [dreg:$0x1];
	p0 =	sne.s32 s2, $0x0  }
0x2a4: {  	s3 =	rddreg [dreg:$0x2];
	[bflag:$0x3] =	sbarrier.arrive $0xFFFF;
	s2 =	simm.s32 @!p0 $0x1C05  }
0x2a5: {  	[timem:s3], [sflag:s2] =	dma.local @!p0 [hbm:s0], s1  }
0x2a6: {  	s0 =	simm.s32 @!p0 $0x5  }
0x2a7: {  	_ =	swait.ge @!p0 [sflag:s0], s1  }
0x2a8: {  	s1 =	ssub.s32 @!p0 $0x0, s1;
	[sflag:s0] =	ssyncset.done @!p0 $0x0  }
0x2a9: {  	[sflag:s0] =	ssyncadd.s32 @!p0 s1  }
0x2aa: {  	[bflag:$0x3] =	sbarrier.arrive $0xFFFF  }
0x2ab: {  	_ =	shalt  }

</sc_bundles>
